<compile_context>
chip_gen: v7x
topology: tpu7x:2x2x1
jax: 0.10.2.dev20260603
libtpu: 0.0.44.dev20260713+nightly
codegen_flags: <defaults>
</compile_context>

<pallas_src>
import functools

import jax
import jax.numpy as jnp
from jax import lax
from jax.experimental import pallas as pl
from jax.experimental.pallas import tpu as pltpu



def _rot_c_body(j_ref, r_ref, wc1, bc1, wc2, bc2, out_ref):
    jr = j_ref[...] + r_ref[...]
    h = jnp.maximum(jr @ wc1[...] + bc1[...][None, :], 0.0)
    out_ref[...] = jnp.maximum(h @ wc2[...] + bc2[...][None, :], 0.0)


def _rot_p1_body(h_ref, wp1, bp1, out_ref):
    out_ref[...] = jnp.maximum(h_ref[...] @ wp1[...] + bp1[...][None, :], 0.0)


def _rot_tail_body(h_ref, wp2, bp2, wf1, bf1, wf2, bf2, wf3, bf3, wf4, bf4,
                   out_ref):
    h = jnp.maximum(h_ref[...] @ wp2[...] + bp2[...][None, :], 0.0)
    h = jnp.maximum(h @ wf1[...] + bf1[...][None, :], 0.0)
    h = jnp.maximum(h @ wf2[...] + bf2[...][None, :], 0.0)
    h = jnp.maximum(h @ wf3[...] + bf3[...][None, :], 0.0)
    out_ref[...] = h @ wf4[...] + bf4[...][None, :]


def _rot_branch(j_mid, r_mid, W_c1, b_c1, W_c2, b_c2, W_p1, b_p1, W_p2, b_p2,
                W_f1, b_f1, W_f2, b_f2, W_f3, b_f3, W_f4, b_f4):
    B = j_mid.shape[0]
    j = j_mid.reshape(B, 1024, 16).swapaxes(1, 2).reshape(B * 16, 1024)
    r = r_mid.reshape(B, 1024, 16).swapaxes(1, 2).reshape(B * 16, 1024)
    wp1p = W_p1.reshape(256, 16, 2048).transpose(1, 0, 2).reshape(4096, 2048)
    RT = 512
    full = lambda *s: pl.BlockSpec(s, lambda i: tuple(0 for _ in s))
    h2 = pl.pallas_call(
        _rot_c_body,
        grid=(B * 16 // RT,),
        in_specs=[
            pl.BlockSpec((RT, 1024), lambda i: (i, 0)),
            pl.BlockSpec((RT, 1024), lambda i: (i, 0)),
            full(1024, 512), full(512), full(512, 256), full(256),
        ],
        out_specs=pl.BlockSpec((RT, 256), lambda i: (i, 0)),
        out_shape=jax.ShapeDtypeStruct((B * 16, 256), jnp.float32),
    )(j, r, W_c1, b_c1, W_c2, b_c2).reshape(B, 4096)
    NT = 512
    h3 = pl.pallas_call(
        _rot_p1_body,
        grid=(2048 // NT,),
        in_specs=[
            pl.BlockSpec((B, 4096), lambda i: (0, 0)),
            pl.BlockSpec((4096, NT), lambda i: (0, i)),
            pl.BlockSpec((NT,), lambda i: (i,)),
        ],
        out_specs=pl.BlockSpec((B, NT), lambda i: (0, i)),
        out_shape=jax.ShapeDtypeStruct((B, 2048), jnp.float32),
    )(h2, wp1p, b_p1)
    return pl.pallas_call(
        _rot_tail_body,
        out_shape=jax.ShapeDtypeStruct((B, 6), jnp.float32),
    )(h3, W_p2, b_p2, W_f1, b_f1, W_f2, b_f2, W_f3, b_f3, W_f4, b_f4)



def _spiral_conv(xv, idx, W, b):
    g = jnp.take(xv, idx.reshape(-1), axis=1)
    g = g.reshape(xv.shape[0], idx.shape[0], -1)
    return jnp.einsum('bnf,fo->bno', g, W) + b


def _pool(xv, row, col, val):
    out = jnp.take(xv, col, axis=1) * val[None, :, None]
    n_out = row.shape[0] // 3
    base = jnp.zeros((xv.shape[0], n_out, xv.shape[-1]), dtype=xv.dtype)
    return base.at[:, row, :].add(out)


def _grid_sample(feat, uv):
    Bn, C, H, W = feat.shape
    xg = (uv[..., 0] + 1.0) * 0.5 * (W - 1)
    yg = (uv[..., 1] + 1.0) * 0.5 * (H - 1)
    x0 = jnp.floor(xg)
    y0 = jnp.floor(yg)
    wx1 = xg - x0
    wx0 = 1.0 - wx1
    wy1 = yg - y0
    wy0 = 1.0 - wy1
    x0i = jnp.clip(x0, 0, W - 1).astype(jnp.int32)
    x1i = jnp.clip(x0 + 1.0, 0, W - 1).astype(jnp.int32)
    y0i = jnp.clip(y0, 0, H - 1).astype(jnp.int32)
    y1i = jnp.clip(y0 + 1.0, 0, H - 1).astype(jnp.int32)
    gat = jax.vmap(lambda fb, yi, xi: fb[:, yi, xi])
    v00 = gat(feat, y0i, x0i)
    v01 = gat(feat, y0i, x1i)
    v10 = gat(feat, y1i, x0i)
    v11 = gat(feat, y1i, x1i)
    return (v00 * (wy0 * wx0)[:, None, :] + v01 * (wy0 * wx1)[:, None, :]
            + v10 * (wy1 * wx0)[:, None, :] + v11 * (wy1 * wx1)[:, None, :])


def _mesh_branch(uv, x, idxs, rows, cols, up_vals, W_dec, upsample,
                 de_params, W_head, b_head):
    uvc = jnp.clip((uv - 0.5) * 2.0, -1.0, 1.0)
    feat = jnp.einsum('bchw,cd->bdhw', x, W_dec)
    s = _grid_sample(feat, uvc)
    xm = jnp.transpose(s, (0, 2, 1))
    xm = jnp.einsum('vp,bpc->bvc', upsample, xm)
    for i in range(4):
        lvl = 3 - i
        xm = _pool(xm, rows[lvl], cols[lvl], up_vals[lvl])
        xm = jax.nn.relu(_spiral_conv(xm, idxs[lvl], de_params[i][0], de_params[i][1]))
    return _spiral_conv(xm, idxs[0], W_head, b_head)


def kernel(uv, x, j_mid, r_mid, spiral_idx_0, spiral_idx_1, spiral_idx_2, spiral_idx_3, up_row_0, up_col_0, up_val_0, up_row_1, up_col_1, up_val_1, up_row_2, up_col_2, up_val_2, up_row_3, up_col_3, up_val_3, W_dec, upsample, W_de_0, b_de_0, W_de_1, b_de_1, W_de_2, b_de_2, W_de_3, b_de_3, W_head, b_head, W_c1, b_c1, W_c2, b_c2, W_p1, b_p1, W_p2, b_p2, W_f1, b_f1, W_f2, b_f2, W_f3, b_f3, W_f4, b_f4):
    pred_rot = _rot_branch(j_mid, r_mid, W_c1, b_c1, W_c2, b_c2, W_p1, b_p1,
                           W_p2, b_p2, W_f1, b_f1, W_f2, b_f2, W_f3, b_f3,
                           W_f4, b_f4)
    pred = _mesh_branch(
        uv, x,
        (spiral_idx_0, spiral_idx_1, spiral_idx_2, spiral_idx_3),
        (up_row_0, up_row_1, up_row_2, up_row_3),
        (up_col_0, up_col_1, up_col_2, up_col_3),
        (up_val_0, up_val_1, up_val_2, up_val_3),
        W_dec, upsample,
        ((W_de_0, b_de_0), (W_de_1, b_de_1), (W_de_2, b_de_2), (W_de_3, b_de_3)),
        W_head, b_head)
    return (pred, pred_rot)

# --- scband reference (transcript-rebuilt; emitter-appended) ---
"""Pipeline reference for scband-h2-onet-decoder-69630009803201 (READ-ONLY COPY).

The authoritative reference and input builder live on the scoring server;
editing this copy changes nothing except your own understanding.
"""

import jax, jax.numpy as jnp
import numpy as np

L = 9
LEVELS = [778, 389, 195, 98, 49]
B = 128
LATENT = 256
OUT_CH = [32, 64, 128, 256]
UV_CH = 21
HF, WF = 8, 8

def _lin(k, fi, fo):
    return jax.random.normal(k, (fi, fo), dtype=jnp.float32) * (1.0 / float(np.sqrt(fi)))

def setup_inputs(seed: int = 0):
    key = jax.random.key(seed)
    ks = iter(jax.random.split(key, 80))
    inp = {}
    inp['uv'] = jax.random.uniform(next(ks), (B, UV_CH, 2), dtype=jnp.float32)
    inp['x'] = jax.random.normal(next(ks), (B, LATENT, HF, WF), dtype=jnp.float32)
    inp['j_mid'] = jax.random.normal(next(ks), (B, 1024, 4, 4), dtype=jnp.float32)
    inp['r_mid'] = jax.random.normal(next(ks), (B, 1024, 4, 4), dtype=jnp.float32)
    for i in range(4):
        n = LEVELS[i]
        idx = jax.random.randint(next(ks), (n, L), 0, n, dtype=jnp.int32)
        idx = idx.at[:, 0].set(jnp.arange(n, dtype=jnp.int32))
        inp['spiral_idx_%d' % i] = idx
    for i in range(4):
        n_out, n_in = LEVELS[i], LEVELS[i + 1]
        inp['up_row_%d' % i] = jnp.repeat(jnp.arange(n_out, dtype=jnp.int32), 3)
        inp['up_col_%d' % i] = jax.random.randint(next(ks), (3 * n_out,), 0, n_in, dtype=jnp.int32)
        inp['up_val_%d' % i] = jax.random.uniform(next(ks), (3 * n_out,), dtype=jnp.float32)
    inp['W_dec'] = _lin(next(ks), LATENT, OUT_CH[-1])
    inp['upsample'] = jnp.ones((LEVELS[-1], UV_CH), dtype=jnp.float32) * 0.01
    chans = [(OUT_CH[3], OUT_CH[3]), (OUT_CH[3], OUT_CH[2]), (OUT_CH[2], OUT_CH[1]), (OUT_CH[1], OUT_CH[0])]
    for i, (ci, co) in enumerate(chans):
        inp['W_de_%d' % i] = _lin(next(ks), L * ci, co)
        inp['b_de_%d' % i] = jnp.zeros((co,), dtype=jnp.float32)
    inp['W_head'] = _lin(next(ks), L * OUT_CH[0], 3)
    inp['b_head'] = jnp.zeros((3,), dtype=jnp.float32)
    for nm, fi, fo in [('c1', 1024, 512), ('c2', 512, 256), ('p1', 4096, 2048), ('p2', 2048, 1024), ('f1', 1024, 1024), ('f2', 1024, 512), ('f3', 512, 256), ('f4', 256, 6)]:
        inp['W_' + nm] = _lin(next(ks), fi, fo)
        inp['b_' + nm] = jnp.zeros((fo,), dtype=jnp.float32)
    return inp

def _spiral_conv(xv, idx, W, b):
    g = jnp.take(xv, idx.reshape(-1), axis=1)
    g = g.reshape(xv.shape[0], idx.shape[0], -1)
    return jnp.einsum('bnf,fo->bno', g, W) + b

def _pool(xv, row, col, val):
    out = jnp.take(xv, col, axis=1) * val[None, :, None]
    n_out = row.shape[0] // 3
    base = jnp.zeros((xv.shape[0], n_out, xv.shape[-1]), dtype=xv.dtype)
    return base.at[:, row, :].add(out)

def _grid_sample(feat, uv):
    Bn, C, H, W = feat.shape
    xg = (uv[..., 0] + 1.0) * 0.5 * (W - 1)
    yg = (uv[..., 1] + 1.0) * 0.5 * (H - 1)
    x0 = jnp.floor(xg)
    y0 = jnp.floor(yg)
    wx1 = xg - x0
    wx0 = 1.0 - wx1
    wy1 = yg - y0
    wy0 = 1.0 - wy1
    x0i = jnp.clip(x0, 0, W - 1).astype(jnp.int32)
    x1i = jnp.clip(x0 + 1.0, 0, W - 1).astype(jnp.int32)
    y0i = jnp.clip(y0, 0, H - 1).astype(jnp.int32)
    y1i = jnp.clip(y0 + 1.0, 0, H - 1).astype(jnp.int32)
    gat = jax.vmap(lambda fb, yi, xi: fb[:, yi, xi])
    v00 = gat(feat, y0i, x0i)
    v01 = gat(feat, y0i, x1i)
    v10 = gat(feat, y1i, x0i)
    v11 = gat(feat, y1i, x1i)
    return v00 * (wy0 * wx0)[:, None, :] + v01 * (wy0 * wx1)[:, None, :] + v10 * (wy1 * wx0)[:, None, :] + v11 * (wy1 * wx1)[:, None, :]

def _decode(fl, idxs, rows, cols):
    (uv, x, j_mid, r_mid, up_val_0, up_val_1, up_val_2, up_val_3, W_dec, upsample, W_de_0, b_de_0, W_de_1, b_de_1, W_de_2, b_de_2, W_de_3, b_de_3, W_head, b_head, W_c1, b_c1, W_c2, b_c2, W_p1, b_p1, W_p2, b_p2, W_f1, b_f1, W_f2, b_f2, W_f3, b_f3, W_f4, b_f4) = fl
    jr = jax.lax.stop_gradient(j_mid) + r_mid
    Bn = jr.shape[0]
    h = jr.reshape(Bn, 1024, -1)
    h = jax.nn.relu(jnp.einsum('bcl,cd->bdl', h, W_c1) + b_c1[None, :, None])
    h = jax.nn.relu(jnp.einsum('bcl,cd->bdl', h, W_c2) + b_c2[None, :, None])
    h = h.reshape(Bn, -1)
    h = jax.nn.relu(h @ W_p1 + b_p1)
    h = jax.nn.relu(h @ W_p2 + b_p2)
    h = jax.nn.relu(h @ W_f1 + b_f1)
    h = jax.nn.relu(h @ W_f2 + b_f2)
    h = jax.nn.relu(h @ W_f3 + b_f3)
    pred_rot = h @ W_f4 + b_f4
    uvc = jnp.clip((uv - 0.5) * 2.0, -1.0, 1.0)
    feat = jnp.einsum('bchw,cd->bdhw', x, W_dec)
    s = _grid_sample(feat, uvc)
    xm = jnp.transpose(s, (0, 2, 1))
    xm = jnp.einsum('vp,bpc->bvc', upsample, xm)
    up_vals = (up_val_0, up_val_1, up_val_2, up_val_3)
    de_params = ((W_de_0, b_de_0), (W_de_1, b_de_1), (W_de_2, b_de_2), (W_de_3, b_de_3))
    for i in range(4):
        lvl = 3 - i
        xm = _pool(xm, rows[lvl], cols[lvl], up_vals[lvl])
        xm = jax.nn.relu(_spiral_conv(xm, idxs[lvl], de_params[i][0], de_params[i][1]))
    pred = _spiral_conv(xm, idxs[0], W_head, b_head)
    return (pred, pred_rot)

def reference(uv, x, j_mid, r_mid, spiral_idx_0, spiral_idx_1, spiral_idx_2, spiral_idx_3, up_row_0, up_col_0, up_val_0, up_row_1, up_col_1, up_val_1, up_row_2, up_col_2, up_val_2, up_row_3, up_col_3, up_val_3, W_dec, upsample, W_de_0, b_de_0, W_de_1, b_de_1, W_de_2, b_de_2, W_de_3, b_de_3, W_head, b_head, W_c1, b_c1, W_c2, b_c2, W_p1, b_p1, W_p2, b_p2, W_f1, b_f1, W_f2, b_f2, W_f3, b_f3, W_f4, b_f4):
    fl = (uv, x, j_mid, r_mid, up_val_0, up_val_1, up_val_2, up_val_3, W_dec, upsample, W_de_0, b_de_0, W_de_1, b_de_1, W_de_2, b_de_2, W_de_3, b_de_3, W_head, b_head, W_c1, b_c1, W_c2, b_c2, W_p1, b_p1, W_p2, b_p2, W_f1, b_f1, W_f2, b_f2, W_f3, b_f3, W_f4, b_f4)
    idxs = (spiral_idx_0, spiral_idx_1, spiral_idx_2, spiral_idx_3)
    rows = (up_row_0, up_row_1, up_row_2, up_row_3)
    cols = (up_col_0, up_col_1, up_col_2, up_col_3)
    return _decode(fl, idxs, rows, cols)

if __name__ == "__main__":
    import jax
    _d = setup_inputs()
    print(jax.jit(kernel)(*tuple(_d.values())))

</pallas_src>

<mosaic_0001>
module attributes {stable_mosaic.version = 14 : i64} {
  func.func @_rot_c_body(%arg0: i32, %arg1: memref<512x1024xf32, #tpu.memory_space<vmem>>, %arg2: memref<512x1024xf32, #tpu.memory_space<vmem>>, %arg3: memref<1024x512xf32, #tpu.memory_space<vmem>>, %arg4: memref<512xf32, #tpu.memory_space<vmem>>, %arg5: memref<512x256xf32, #tpu.memory_space<vmem>>, %arg6: memref<256xf32, #tpu.memory_space<vmem>>, %arg7: memref<512x256xf32, #tpu.memory_space<vmem>>) attributes {dimension_semantics = [#tpu.dimension_semantics<arbitrary>], iteration_bounds = array<i64: 4>, scalar_prefetch = 0 : i64, scratch_operands = 0 : i64, tpu.core_type = #tpu.core_type<tc>, window_params = [{transform_indices = @transform_0, window_bounds = array<i64: 512, 1024>}, {transform_indices = @transform_1, window_bounds = array<i64: 512, 1024>}, {pipeline_mode = #tpu.pipeline_mode<synchronous>, transform_indices = @transform_2, window_bounds = array<i64: 1024, 512>}, {pipeline_mode = #tpu.pipeline_mode<synchronous>, transform_indices = @transform_3, window_bounds = array<i64: 512>}, {pipeline_mode = #tpu.pipeline_mode<synchronous>, transform_indices = @transform_4, window_bounds = array<i64: 512, 256>}, {pipeline_mode = #tpu.pipeline_mode<synchronous>, transform_indices = @transform_5, window_bounds = array<i64: 256>}, {transform_indices = @transform_6, window_bounds = array<i64: 512, 256>}]} {
    %get3A = arith.constant 0 : index
    %get3A_0 = arith.constant 0 : index
    %get3A_1 = vector.load %arg1[%get3A, %get3A_0] : memref<512x1024xf32, #tpu.memory_space<vmem>>, vector<512x1024xf32>
    %get3A_2 = arith.constant 0 : index
    %get3A_3 = arith.constant 0 : index
    %get3A_4 = vector.load %arg2[%get3A_2, %get3A_3] : memref<512x1024xf32, #tpu.memory_space<vmem>>, vector<512x1024xf32>
    %add3A = arith.addf %get3A_1, %get3A_4 : vector<512x1024xf32>
    %get3A_5 = arith.constant 0 : index
    %get3A_6 = arith.constant 0 : index
    %get3A_7 = vector.load %arg3[%get3A_5, %get3A_6] : memref<1024x512xf32, #tpu.memory_space<vmem>>, vector<1024x512xf32>
    %dot_general3A = arith.constant dense<0.000000e+00> : vector<512x512xf32>
    %dot_general3A_8 = tpu.matmul %add3A, %get3A_7, %dot_general3A {dimension_numbers = #tpu.dot_dimension_numbers<[1], [0], [0], [1], [0, 0, 1, 1], [], []>, transpose_lhs_hint = false} : vector<512x1024xf32>, vector<1024x512xf32>, vector<512x512xf32> -> vector<512x512xf32>
    %get3A_9 = arith.constant 0 : index
    %get3A_10 = vector.load %arg4[%get3A_9] : memref<512xf32, #tpu.memory_space<vmem>>, vector<512xf32>
    %broadcast_in_dim3A = vector.shape_cast %get3A_10 : vector<512xf32> to vector<1x512xf32>
    %add3A_11 = vector.broadcast %broadcast_in_dim3A : vector<1x512xf32> to vector<512x512xf32>
    %add3A_12 = arith.addf %dot_general3A_8, %add3A_11 : vector<512x512xf32>
    %max3A = arith.constant 0.000000e+00 : f32
    %max3A_13 = vector.broadcast %max3A : f32 to vector<512x512xf32>
    %max3A_14 = arith.maximumf %add3A_12, %max3A_13 : vector<512x512xf32>
    %get3A_15 = arith.constant 0 : index
    %get3A_16 = arith.constant 0 : index
    %get3A_17 = vector.load %arg5[%get3A_15, %get3A_16] : memref<512x256xf32, #tpu.memory_space<vmem>>, vector<512x256xf32>
    %dot_general3A_18 = arith.constant dense<0.000000e+00> : vector<512x256xf32>
    %dot_general3A_19 = tpu.matmul %max3A_14, %get3A_17, %dot_general3A_18 {dimension_numbers = #tpu.dot_dimension_numbers<[1], [0], [0], [1], [0, 0, 1, 1], [], []>, transpose_lhs_hint = false} : vector<512x512xf32>, vector<512x256xf32>, vector<512x256xf32> -> vector<512x256xf32>
    %get3A_20 = arith.constant 0 : index
    %get3A_21 = vector.load %arg6[%get3A_20] : memref<256xf32, #tpu.memory_space<vmem>>, vector<256xf32>
    %broadcast_in_dim3A_22 = vector.shape_cast %get3A_21 : vector<256xf32> to vector<1x256xf32>
    %add3A_23 = vector.broadcast %broadcast_in_dim3A_22 : vector<1x256xf32> to vector<512x256xf32>
    %add3A_24 = arith.addf %dot_general3A_19, %add3A_23 : vector<512x256xf32>
    %max3A_25 = arith.constant 0.000000e+00 : f32
    %max3A_26 = vector.broadcast %max3A_25 : f32 to vector<512x256xf32>
    %max3A_27 = arith.maximumf %add3A_24, %max3A_26 : vector<512x256xf32>
    %swap3A = arith.constant 0 : index
    %swap3A_28 = arith.constant 0 : index
    %swap3A_29 = vector.load %arg7[%swap3A, %swap3A_28] : memref<512x256xf32, #tpu.memory_space<vmem>>, vector<512x256xf32>
    tpu.vector_store %arg7[%swap3A, %swap3A_28], %max3A_27 {strides = array<i32>} : memref<512x256xf32, #tpu.memory_space<vmem>>, vector<512x256xf32>,
    return
  }
  func.func @transform_0(%arg0: i32) -> (i32, i32) {
    %c0_i32 = arith.constant 0 : i32
    %c0_i32_0 = arith.constant 0 : i32
    return %arg0, %c0_i32 : i32, i32
  }
  func.func @transform_1(%arg0: i32) -> (i32, i32) {
    %c0_i32 = arith.constant 0 : i32
    %c0_i32_0 = arith.constant 0 : i32
    return %arg0, %c0_i32 : i32, i32
  }
  func.func @transform_2(%arg0: i32) -> (i32, i32) {
    %c0_i32 = arith.constant 0 : i32
    %c0_i32_0 = arith.constant 0 : i32
    %c0_i32_1 = arith.constant 0 : i32
    return %c0_i32, %c0_i32_0 : i32, i32
  }
  func.func @transform_3(%arg0: i32) -> i32 {
    %c0_i32 = arith.constant 0 : i32
    %c0_i32_0 = arith.constant 0 : i32
    return %c0_i32 : i32
  }
  func.func @transform_4(%arg0: i32) -> (i32, i32) {
    %c0_i32 = arith.constant 0 : i32
    %c0_i32_0 = arith.constant 0 : i32
    %c0_i32_1 = arith.constant 0 : i32
    return %c0_i32, %c0_i32_0 : i32, i32
  }
  func.func @transform_5(%arg0: i32) -> i32 {
    %c0_i32 = arith.constant 0 : i32
    %c0_i32_0 = arith.constant 0 : i32
    return %c0_i32 : i32
  }
  func.func @transform_6(%arg0: i32) -> (i32, i32) {
    %c0_i32 = arith.constant 0 : i32
    %c0_i32_0 = arith.constant 0 : i32
    return %arg0, %c0_i32 : i32, i32
  }
}

module attributes {stable_mosaic.version = 14 : i64} {
  func.func @_rot_p1_body(%arg0: i32, %arg1: memref<128x4096xf32, #tpu.memory_space<vmem>>, %arg2: memref<4096x512xf32, #tpu.memory_space<vmem>>, %arg3: memref<512xf32, #tpu.memory_space<vmem>>, %arg4: memref<128x512xf32, #tpu.memory_space<vmem>>) attributes {dimension_semantics = [#tpu.dimension_semantics<arbitrary>], iteration_bounds = array<i64: 4>, scalar_prefetch = 0 : i64, scratch_operands = 0 : i64, tpu.core_type = #tpu.core_type<tc>, window_params = [{pipeline_mode = #tpu.pipeline_mode<synchronous>, transform_indices = @transform_0, window_bounds = array<i64: 128, 4096>}, {transform_indices = @transform_1, window_bounds = array<i64: 4096, 512>}, {transform_indices = @transform_2, window_bounds = array<i64: 512>}, {transform_indices = @transform_3, window_bounds = array<i64: 128, 512>}]} {
    %get3A = arith.constant 0 : index
    %get3A_0 = arith.constant 0 : index
    %get3A_1 = vector.load %arg1[%get3A, %get3A_0] : memref<128x4096xf32, #tpu.memory_space<vmem>>, vector<128x4096xf32>
    %get3A_2 = arith.constant 0 : index
    %get3A_3 = arith.constant 0 : index
    %get3A_4 = vector.load %arg2[%get3A_2, %get3A_3] : memref<4096x512xf32, #tpu.memory_space<vmem>>, vector<4096x512xf32>
    %dot_general3A = arith.constant dense<0.000000e+00> : vector<128x512xf32>
    %dot_general3A_5 = tpu.matmul %get3A_1, %get3A_4, %dot_general3A {dimension_numbers = #tpu.dot_dimension_numbers<[1], [0], [0], [1], [0, 0, 1, 1], [], []>, transpose_lhs_hint = false} : vector<128x4096xf32>, vector<4096x512xf32>, vector<128x512xf32> -> vector<128x512xf32>
    %get3A_6 = arith.constant 0 : index
    %get3A_7 = vector.load %arg3[%get3A_6] : memref<512xf32, #tpu.memory_space<vmem>>, vector<512xf32>
    %broadcast_in_dim3A = vector.shape_cast %get3A_7 : vector<512xf32> to vector<1x512xf32>
    %add3A = vector.broadcast %broadcast_in_dim3A : vector<1x512xf32> to vector<128x512xf32>
    %add3A_8 = arith.addf %dot_general3A_5, %add3A : vector<128x512xf32>
    %max3A = arith.constant 0.000000e+00 : f32
    %max3A_9 = vector.broadcast %max3A : f32 to vector<128x512xf32>
    %max3A_10 = arith.maximumf %add3A_8, %max3A_9 : vector<128x512xf32>
    %swap3A = arith.constant 0 : index
    %swap3A_11 = arith.constant 0 : index
    %swap3A_12 = vector.load %arg4[%swap3A, %swap3A_11] : memref<128x512xf32, #tpu.memory_space<vmem>>, vector<128x512xf32>
    tpu.vector_store %arg4[%swap3A, %swap3A_11], %max3A_10 {strides = array<i32>} : memref<128x512xf32, #tpu.memory_space<vmem>>, vector<128x512xf32>,
    return
  }
  func.func @transform_0(%arg0: i32) -> (i32, i32) {
    %c0_i32 = arith.constant 0 : i32
    %c0_i32_0 = arith.constant 0 : i32
    %c0_i32_1 = arith.constant 0 : i32
    return %c0_i32, %c0_i32_0 : i32, i32
  }
  func.func @transform_1(%arg0: i32) -> (i32, i32) {
    %c0_i32 = arith.constant 0 : i32
    %c0_i32_0 = arith.constant 0 : i32
    return %c0_i32, %arg0 : i32, i32
  }
  func.func @transform_2(%arg0: i32) -> i32 {
    %c0_i32 = arith.constant 0 : i32
    return %arg0 : i32
  }
  func.func @transform_3(%arg0: i32) -> (i32, i32) {
    %c0_i32 = arith.constant 0 : i32
    %c0_i32_0 = arith.constant 0 : i32
    return %c0_i32, %arg0 : i32, i32
  }
}

module attributes {stable_mosaic.version = 14 : i64} {
  func.func @_rot_tail_body(%arg0: memref<128x2048xf32, #tpu.memory_space<vmem>>, %arg1: memref<2048x1024xf32, #tpu.memory_space<vmem>>, %arg2: memref<1024xf32, #tpu.memory_space<vmem>>, %arg3: memref<1024x1024xf32, #tpu.memory_space<vmem>>, %arg4: memref<1024xf32, #tpu.memory_space<vmem>>, %arg5: memref<1024x512xf32, #tpu.memory_space<vmem>>, %arg6: memref<512xf32, #tpu.memory_space<vmem>>, %arg7: memref<512x256xf32, #tpu.memory_space<vmem>>, %arg8: memref<256xf32, #tpu.memory_space<vmem>>, %arg9: memref<256x6xf32, #tpu.memory_space<vmem>>, %arg10: memref<6xf32, #tpu.memory_space<vmem>>, %arg11: memref<128x6xf32, #tpu.memory_space<vmem>>) attributes {dimension_semantics = [], scalar_prefetch = 0 : i64, scratch_operands = 0 : i64, tpu.core_type = #tpu.core_type<tc>} {
    %get3A = arith.constant 0 : index
    %get3A_0 = arith.constant 0 : index
    %get3A_1 = vector.load %arg0[%get3A, %get3A_0] : memref<128x2048xf32, #tpu.memory_space<vmem>>, vector<128x2048xf32>
    %get3A_2 = arith.constant 0 : index
    %get3A_3 = arith.constant 0 : index
    %get3A_4 = vector.load %arg1[%get3A_2, %get3A_3] : memref<2048x1024xf32, #tpu.memory_space<vmem>>, vector<2048x1024xf32>
    %dot_general3A = arith.constant dense<0.000000e+00> : vector<128x1024xf32>
    %dot_general3A_5 = tpu.matmul %get3A_1, %get3A_4, %dot_general3A {dimension_numbers = #tpu.dot_dimension_numbers<[1], [0], [0], [1], [0, 0, 1, 1], [], []>, transpose_lhs_hint = false} : vector<128x2048xf32>, vector<2048x1024xf32>, vector<128x1024xf32> -> vector<128x1024xf32>
    %get3A_6 = arith.constant 0 : index
    %get3A_7 = vector.load %arg2[%get3A_6] : memref<1024xf32, #tpu.memory_space<vmem>>, vector<1024xf32>
    %broadcast_in_dim3A = vector.shape_cast %get3A_7 : vector<1024xf32> to vector<1x1024xf32>
    %add3A = vector.broadcast %broadcast_in_dim3A : vector<1x1024xf32> to vector<128x1024xf32>
    %add3A_8 = arith.addf %dot_general3A_5, %add3A : vector<128x1024xf32>
    %max3A = arith.constant 0.000000e+00 : f32
    %max3A_9 = vector.broadcast %max3A : f32 to vector<128x1024xf32>
    %max3A_10 = arith.maximumf %add3A_8, %max3A_9 : vector<128x1024xf32>
    %get3A_11 = arith.constant 0 : index
    %get3A_12 = arith.constant 0 : index
    %get3A_13 = vector.load %arg3[%get3A_11, %get3A_12] : memref<1024x1024xf32, #tpu.memory_space<vmem>>, vector<1024x1024xf32>
    %dot_general3A_14 = arith.constant dense<0.000000e+00> : vector<128x1024xf32>
    %dot_general3A_15 = tpu.matmul %max3A_10, %get3A_13, %dot_general3A_14 {dimension_numbers = #tpu.dot_dimension_numbers<[1], [0], [0], [1], [0, 0, 1, 1], [], []>, transpose_lhs_hint = false} : vector<128x1024xf32>, vector<1024x1024xf32>, vector<128x1024xf32> -> vector<128x1024xf32>
    %get3A_16 = arith.constant 0 : index
    %get3A_17 = vector.load %arg4[%get3A_16] : memref<1024xf32, #tpu.memory_space<vmem>>, vector<1024xf32>
    %broadcast_in_dim3A_18 = vector.shape_cast %get3A_17 : vector<1024xf32> to vector<1x1024xf32>
    %add3A_19 = vector.broadcast %broadcast_in_dim3A_18 : vector<1x1024xf32> to vector<128x1024xf32>
    %add3A_20 = arith.addf %dot_general3A_15, %add3A_19 : vector<128x1024xf32>
    %max3A_21 = arith.constant 0.000000e+00 : f32
    %max3A_22 = vector.broadcast %max3A_21 : f32 to vector<128x1024xf32>
    %max3A_23 = arith.maximumf %add3A_20, %max3A_22 : vector<128x1024xf32>
    %get3A_24 = arith.constant 0 : index
    %get3A_25 = arith.constant 0 : index
    %get3A_26 = vector.load %arg5[%get3A_24, %get3A_25] : memref<1024x512xf32, #tpu.memory_space<vmem>>, vector<1024x512xf32>
    %dot_general3A_27 = arith.constant dense<0.000000e+00> : vector<128x512xf32>
    %dot_general3A_28 = tpu.matmul %max3A_23, %get3A_26, %dot_general3A_27 {dimension_numbers = #tpu.dot_dimension_numbers<[1], [0], [0], [1], [0, 0, 1, 1], [], []>, transpose_lhs_hint = false} : vector<128x1024xf32>, vector<1024x512xf32>, vector<128x512xf32> -> vector<128x512xf32>
    %get3A_29 = arith.constant 0 : index
    %get3A_30 = vector.load %arg6[%get3A_29] : memref<512xf32, #tpu.memory_space<vmem>>, vector<512xf32>
    %broadcast_in_dim3A_31 = vector.shape_cast %get3A_30 : vector<512xf32> to vector<1x512xf32>
    %add3A_32 = vector.broadcast %broadcast_in_dim3A_31 : vector<1x512xf32> to vector<128x512xf32>
    %add3A_33 = arith.addf %dot_general3A_28, %add3A_32 : vector<128x512xf32>
    %max3A_34 = arith.constant 0.000000e+00 : f32
    %max3A_35 = vector.broadcast %max3A_34 : f32 to vector<128x512xf32>
    %max3A_36 = arith.maximumf %add3A_33, %max3A_35 : vector<128x512xf32>
    %get3A_37 = arith.constant 0 : index
    %get3A_38 = arith.constant 0 : index
    %get3A_39 = vector.load %arg7[%get3A_37, %get3A_38] : memref<512x256xf32, #tpu.memory_space<vmem>>, vector<512x256xf32>
    %dot_general3A_40 = arith.constant dense<0.000000e+00> : vector<128x256xf32>
    %dot_general3A_41 = tpu.matmul %max3A_36, %get3A_39, %dot_general3A_40 {dimension_numbers = #tpu.dot_dimension_numbers<[1], [0], [0], [1], [0, 0, 1, 1], [], []>, transpose_lhs_hint = false} : vector<128x512xf32>, vector<512x256xf32>, vector<128x256xf32> -> vector<128x256xf32>
    %get3A_42 = arith.constant 0 : index
    %get3A_43 = vector.load %arg8[%get3A_42] : memref<256xf32, #tpu.memory_space<vmem>>, vector<256xf32>
    %broadcast_in_dim3A_44 = vector.shape_cast %get3A_43 : vector<256xf32> to vector<1x256xf32>
    %add3A_45 = vector.broadcast %broadcast_in_dim3A_44 : vector<1x256xf32> to vector<128x256xf32>
    %add3A_46 = arith.addf %dot_general3A_41, %add3A_45 : vector<128x256xf32>
    %max3A_47 = arith.constant 0.000000e+00 : f32
    %max3A_48 = vector.broadcast %max3A_47 : f32 to vector<128x256xf32>
    %max3A_49 = arith.maximumf %add3A_46, %max3A_48 : vector<128x256xf32>
    %get3A_50 = arith.constant 0 : index
    %get3A_51 = arith.constant 0 : index
    %get3A_52 = vector.load %arg9[%get3A_50, %get3A_51] : memref<256x6xf32, #tpu.memory_space<vmem>>, vector<256x6xf32>
    %dot_general3A_53 = arith.constant dense<0.000000e+00> : vector<128x6xf32>
    %dot_general3A_54 = tpu.matmul %max3A_49, %get3A_52, %dot_general3A_53 {dimension_numbers = #tpu.dot_dimension_numbers<[1], [0], [0], [1], [0, 0, 1, 1], [], []>, transpose_lhs_hint = false} : vector<128x256xf32>, vector<256x6xf32>, vector<128x6xf32> -> vector<128x6xf32>
    %get3A_55 = arith.constant 0 : index
    %get3A_56 = vector.load %arg10[%get3A_55] : memref<6xf32, #tpu.memory_space<vmem>>, vector<6xf32>
    %broadcast_in_dim3A_57 = vector.shape_cast %get3A_56 : vector<6xf32> to vector<1x6xf32>
    %add3A_58 = vector.broadcast %broadcast_in_dim3A_57 : vector<1x6xf32> to vector<128x6xf32>
    %add3A_59 = arith.addf %dot_general3A_54, %add3A_58 : vector<128x6xf32>
    %swap3A = arith.constant 0 : index
    %swap3A_60 = arith.constant 0 : index
    %swap3A_61 = vector.load %arg11[%swap3A, %swap3A_60] : memref<128x6xf32, #tpu.memory_space<vmem>>, vector<128x6xf32>
    tpu.vector_store %arg11[%swap3A, %swap3A_60], %add3A_59 {strides = array<i32>} : memref<128x6xf32, #tpu.memory_space<vmem>>, vector<128x6xf32>,
    return
  }
}

</mosaic_0001>

<sc_bundles>
// kernel: gather_offload_async_start.1
scs
__scs_entry_jumppad:
0x0: {  	(pc) =	sbr.rel $0x88, $3  }
0x1: {  	(tag) =	ssettag $0x0;
	lr =	simm.s32 $0x1  }
0x2: {  	[smem:$0x3F71] =	sst lr;
	_ =	strace $0xD0000000  }
0x3: {  	_ = 	snop  }
0x4: {  	_ = 	snop  }
0x5: {  	_ = 	snop  }
0x6: {  	_ = 	snop  }
0x7: {  	_ = 	snop  }
__scs_overlays_trampoline_lowered:
0x8: {  	[smem:$0x3F80] =	sst s0  }
0x9: {  	[smem:$0x3F81] =	sst s1  }
0xa: {  	[smem:$0x3F82] =	sst s2  }
0xb: {  	[smem:$0x3F83] =	sst s3  }
0xc: {  	[smem:$0x3F84] =	sst s4  }
0xd: {  	[smem:$0x3F85] =	sst s5  }
0xe: {  	[smem:$0x3F86] =	sst s6  }
0xf: {  	[smem:$0x3F87] =	sst s7  }
0x10: {  	[smem:$0x3F88] =	sst s8  }
0x11: {  	[smem:$0x3F89] =	sst s9;
	s0 =	simm.s32 @!p0 $0x0  }
0x12: {  	s1 =	sld [smem:$0x3F6F];
	s0 =	simm.s32 @p0 $0x1  }
0x13: {  	[smem:$0x3F8A] =	sst s0;
	s0 =	simm.s32 @!p1 $0x0  }
0x14: {  	s2 =	sld [smem:$0x3F6E];
	s0 =	simm.s32 @p1 $0x1  }
0x15: {  	[smem:$0x3F8B] =	sst s0;
	s0 =	simm.s32 @!p2 $0x0  }
0x16: {  	s3 =	sld [smem:$0x3FDB];
	s0 =	simm.s32 @p2 $0x1  }
0x17: {  	s4 =	simm.s32 $0x1BF5;
	[smem:$0x3F8D] =	sst s0  }
0x18: {  	s0 =	sld [smem:$0x3F70];
	_ =	swait.ge [sflag:s4], $0x0  }
0x19: {  	s7 =	sld [smem:$0x3F71]  }
0x1a: {  	s8 =	sadd.s32 $0xFFFFE003, lr  }
0x1b: {  	s9 =	sadd.s32 $0xFFFFFEF7, lr;
	s5 =	simm.s32 $0xFFFFFFFF;
	p2 =	slt.u32 s8, $0xFFFFF086  }
0x1c: {  	p1 =	slt.u32 s9, $0xF7A;
	s5 =	simm.s32 @!p2 $0x0  }
0x1d: {  	s5 =	simm.s32 @p1 $0x1;
	p0 =	seq.s32 s7, s2  }
0x1e: {  	s7 =	smul.u32 @!p0 $0xF7A, s2;
	p2 =	seq.s32 @!p0 s5, $0x0  }
0x1f: {  	s9 =	smul.u32 $0xF7A, s1;
	s8 =	simm.s32 @!p0 $0x1BF5;
	p2 =	por !p2, p0  }
0x20: {  	[sflag:s8] =	ssyncset.s32 @!p0 $0xFFFFF086;
	s6 =	sadd.s32 @!p0 s3, s7;
	s7 =	simm.s32 @!p0 $0x108  }
0x21: {  	s3 =	sadd.s32 s3, s9;
	s6 =	sadd.s32 @!p0 $0x88, s6;
	s7 =	simm.s32 @p2 $0x1082  }
0x22: {  	[simem:s7], [sflag:s8] =	dma.local @!p0 [hbm:s6], $0xF7A  }
0x23: {  	s9 =	sor.u32 $0xD0000000, s2;
	s6 =	simm.s32 $0x108;
	_ =	swait.ge @!p0 [sflag:s8], $0x0  }
0x24: {  	s3 =	sadd.s32 $0x88, s3;
	s6 =	simm.s32 @!p1 $0x1082;
	[sflag:s4] =	ssyncset.s32 $0xFFFFF086  }
0x25: {  	[simem:s6], [sflag:s4] =	dma.local [hbm:s3], $0xF7A  }
0x26: {  	[smem:$0x3F71] =	sst s1;
	(tag) =	ssettag s2;
	_ =	strace s9  }
0x27: {  	s1 =	sld [smem:$0x3F81]  }
0x28: {  	s2 =	sld [smem:$0x3F82]  }
0x29: {  	s4 =	sld [smem:$0x3F84]  }
0x2a: {  	p0 =	seq.s32 s5, $0x0;
	s5 =	sld [smem:$0x3F85]  }
0x2b: {  	s6 =	sld [smem:$0x3F86]  }
0x2c: {  	s7 =	sld [smem:$0x3F87]  }
0x2d: {  	s3 =	simm.s32 $0x108;
	s8 =	sld [smem:$0x3F88]  }
0x2e: {  	s3 =	simm.s32 @!p0 $0x1082;
	s9 =	sld [smem:$0x3F89]  }
0x2f: {  	lr =	sadd.s32 s0, s3;
	s0 =	sld [smem:$0x3F80]  }
0x30: {  	s3 =	sld [smem:$0x3F83]  }
0x31: {  	[smem:$0x3F8C] =	sst s10  }
0x32: {  	s10 =	sld [smem:$0x3F8A];
	_ =	sdelay $0x3  }
0x33: {  	p0 =	seq.s32 s10, $0x1;
	s10 =	sld [smem:$0x3F8C];
	_ =	sdelay $0x3  }
0x34: {  	[smem:$0x3F8C] =	sst s10  }
0x35: {  	s10 =	sld [smem:$0x3F8B];
	_ =	sdelay $0x3  }
0x36: {  	p1 =	seq.s32 s10, $0x1;
	s10 =	sld [smem:$0x3F8C];
	_ =	sdelay $0x3  }
0x37: {  	[smem:$0x3F8C] =	sst s10  }
0x38: {  	s10 =	sld [smem:$0x3F8D]  }
0x39: {  	_ = 	snop;
	(pc) =	sbr.ind lr, $3  }
0x3a: {  	_ = 	snop  }
0x3b: {  	_ = 	snop  }
0x3c: {  	p2 =	seq.s32 s10, $0x1;
	s10 =	sld [smem:$0x3F8C]  }
0x3d: {  	_ =	shalt  }
0x3e: {  	_ =	shalt  }
0x3f: {  	_ =	shalt  }
0x40: {  	_ =	shalt  }
0x41: {  	_ =	shalt  }
0x42: {  	_ =	shalt  }
0x43: {  	_ =	shalt  }
0x44: {  	_ =	shalt  }
0x45: {  	_ =	shalt  }
0x46: {  	_ =	shalt  }
0x47: {  	_ =	shalt  }
0x48: {  	_ =	shalt  }
0x49: {  	_ =	shalt  }
0x4a: {  	_ =	shalt  }
0x4b: {  	_ =	shalt  }
0x4c: {  	_ =	shalt  }
0x4d: {  	_ =	shalt  }
0x4e: {  	_ =	shalt  }
0x4f: {  	_ =	shalt  }
0x50: {  	_ =	shalt  }
0x51: {  	_ =	shalt  }
0x52: {  	_ =	shalt  }
0x53: {  	_ =	shalt  }
0x54: {  	_ =	shalt  }
0x55: {  	_ =	shalt  }
0x56: {  	_ =	shalt  }
0x57: {  	_ =	shalt  }
0x58: {  	_ =	shalt  }
0x59: {  	_ =	shalt  }
0x5a: {  	_ =	shalt  }
0x5b: {  	_ =	shalt  }
0x5c: {  	_ =	shalt  }
0x5d: {  	_ =	shalt  }
0x5e: {  	_ =	shalt  }
0x5f: {  	_ =	shalt  }
0x60: {  	_ =	shalt  }
0x61: {  	_ =	shalt  }
0x62: {  	_ =	shalt  }
0x63: {  	_ =	shalt  }
0x64: {  	_ =	shalt  }
0x65: {  	_ =	shalt  }
0x66: {  	_ =	shalt  }
0x67: {  	_ =	shalt  }
0x68: {  	_ =	shalt  }
0x69: {  	_ =	shalt  }
0x6a: {  	_ =	shalt  }
0x6b: {  	_ =	shalt  }
0x6c: {  	_ =	shalt  }
0x6d: {  	_ =	shalt  }
0x6e: {  	_ =	shalt  }
0x6f: {  	_ =	shalt  }
0x70: {  	_ =	shalt  }
0x71: {  	_ =	shalt  }
0x72: {  	_ =	shalt  }
0x73: {  	_ =	shalt  }
0x74: {  	_ =	shalt  }
0x75: {  	_ =	shalt  }
0x76: {  	_ =	shalt  }
0x77: {  	_ =	shalt  }
0x78: {  	_ =	shalt  }
0x79: {  	_ =	shalt  }
0x7a: {  	_ =	shalt  }
0x7b: {  	_ =	shalt  }
0x7c: {  	_ =	shalt  }
0x7d: {  	_ =	shalt  }
0x7e: {  	_ =	shalt  }
0x7f: {  	_ =	shalt  }
0x80: {  	_ =	shalt  }
0x81: {  	_ =	shalt  }
0x82: {  	_ =	shalt  }
0x83: {  	_ =	shalt  }
0x84: {  	_ =	shalt  }
0x85: {  	_ =	shalt  }
0x86: {  	_ =	shalt  }
0x87: {  	_ =	shalt  }
.Lfunc_end0:
.L_simem_size_0:
called_computation.5_lowered:
.L_overlay_start_0:
0x88: {  	s2 =	sld [smem:$0x3FD9]  }
0x89: {  	s3 =	sld [smem:$0x3FFE];
	_ =	sdelay $0x1  }
0x8a: {  	s1 =	srdreg.scid  }
0x8b: {  	s0 =	sand.u32 $0x1, s1  }
0x8c: {  	s17 =	sshll.u32 s0, $0xA;
	s2 =	sadd.s32 s3, s2  }
0x8d: {  	s2 =	sadd.s32 s2, s17  }
0x8e: {  	[smem:$0x3F98] =	sst s2  }
0x8f: {  	_ = 	snop  }
0x90: {  	(tm) =	ssettm $0x1  }
0x91: {  	s18 =	sld [smem:$0x3FFB];
	_ =	sdelay $0x3  }
0x92: {  	_ =	strace s18  }
0x93: {  	s2 =	sld [smem:$0x3FFC];
	_ =	sdelay $0x3  }
0x94: {  	_ =	strace s2  }
0x95: {  	s2 =	sld [smem:$0x3FFD];
	_ =	sdelay $0x3  }
0x96: {  	_ =	strace s2  }
0x97: {  	_ =	strace $0x8FFFFFFF  }
0x98: {  	s19 =	sld [smem:$0x3FDB];
	_ =	sdelay $0x1  }
0x99: {  	s20 =	simm.s32 $_scs_section_size  }
0x9a: {  	s4 =	simm.s32 $_size__tile_overlayer_lowered;
	s5 =	simm.s32 $_tile_overlayer_lowered  }
0x9b: {  	s6 =	simm.s32 $0x1BFF;
	s21 =	sshll.u32 s5, $0x1;
	s3 =	sadd.s32 s20, s19  }
0x9c: {  	s22 =	simm.s32 $0x0;
	s4 =	sshll.u32 s4, $0x1;
	s5 =	sadd.s32 s21, s3  }
0x9d: {  	[timem:s22], [sflag:s6] =	dma.local [hbm:s5], s4  }
0x9e: {  	_ =	swait.ge [sflag:s6], s4  }
0x9f: {  	s4 =	ssub.s32 $0x0, s4;
	[sflag:s6] =	ssyncset.done $0x0  }
0xa0: {  	[sflag:s6] =	ssyncadd.s32 s4;
	_ =	sdelay $0x1  }
0xa1: {  	s23 =	simm.s32 $0x1B8B  }
0xa2: {  	_ =	swait.ge [sflag:s23], $0x1  }
0xa3: {  	[sflag:s23] =	ssyncset.done $0x0  }
0xa4: {  	[sflag:s23] =	ssyncadd.s32 $0xFFFFFFFF  }
0xa5: {  	s4 =	sld [smem:$0x0]  }
0xa6: {  	s5 =	sand.u32 $0xFFFFFFFE, s1  }
0xa7: {  	p0 =	sne.s32 s1, s5  }
0xa8: {  	s5 =	sshll.u32 @p0 s5, $0xE  }
0xa9: {  	s5 =	sadd.s32 @p0 $0x11B8D, s5;
	s6 =	sshll.u32 @p0 s4, $0x11  }
0xaa: {  	s5 =	sor.u32 @p0 s6, s5  }
0xab: {  	[sflag:s5] =	ssyncadd.remote.s32 @p0 $0x1;
	_ =	sdelay $0x1  }
0xac: {  	s5 =	simm.s32 @p0 $0x1B8D  }
0xad: {  	_ =	swait.eq @p0 [sflag:s5], $0x1  }
0xae: {  	[sflag:s5] =	ssyncadd.s32 @p0 $0xFFFFFFFF  }
0xaf: {  	s6 =	sshll.u32 @!p0 s1, $0xE  }
0xb0: {  	s6 =	sor.u32 @!p0 $0x4000, s6;
	s5 =	simm.s32 @!p0 $0x1B8D  }
0xb1: {  	s4 =	sshll.u32 @!p0 s4, $0x11;
	s6 =	sadd.s32 @!p0 $0x11B8D, s6;
	_ =	swait.eq @!p0 [sflag:s5], $0x1  }
0xb2: {  	s4 =	sor.u32 @!p0 s4, s6;
	[sflag:s5] =	ssyncadd.s32 @!p0 $0xFFFFFFFF  }
0xb3: {  	s25 =	simm.s32 $0x1B8E;
	s24 =	sld [smem:$0x3FFE];
	[sflag:s4] =	ssyncadd.remote.s32 @!p0 $0x1  }
0xb4: {  	s26 =	simm.s32 $execute0_lowered;
	[smem:$0x3FD2] =	sst s25  }
0xb5: {  	s5 =	sshll.u32 s26, $0x1;
	_ =	strace $0x80000049;
	[dreg:$0x1] =	wrdreg $0xFFFFFFFF  }
0xb6: {  	s28 =	simm.s32 $_size_execute0_lowered;
	s3 =	sadd.s32 s3, s5;
	[dreg:$0x0] =	wrdreg $0x0  }
0xb7: {  	s5 =	sshll.u32 s28, $0x1;
	[dreg:$0x2] =	wrdreg s3  }
0xb8: {  	[dreg:$0x3] =	wrdreg s5  }
0xb9: {  	[dreg:$0x4] =	wrdreg $0xC0  }
0xba: {  	_ =	task [dreg:s22], $0x5FFFF  }
0xbb: {  	[dreg:$0x1] =	wrdreg $0xFFFFFFFF  }
0xbc: {  	[dreg:$0x0] =	wrdreg $0x60  }
0xbd: {  	[dreg:$0x2] =	wrdreg s24  }
0xbe: {  	[dreg:$0x3] =	wrdreg $0xA  }
0xbf: {  	_ =	task.clear_ibuf [dreg:s22], $0x4FFFF;
	_ =	strace $0x90000049  }
0xc0: {  	s29 =	simm.s32 $0xA;
	_ =	strace $0x8000004B  }
0xc1: {  	_ =	swait.ge [sflag:s29], $0x1  }
0xc2: {  	[sflag:s29] =	ssyncadd.s32 $0xFFFFFFFF  }
0xc3: {  	_ =	strace $0x9000004B  }
0xc4: {  	_ =	sfence  }
0xc5: {  	s30 =	sld [smem:$0x0];
	_ =	sdelay $0x2  }
0xc6: {  	s31 =	sshll.u32 s1, $0xD;
	s1 =	sshrl.u32 s1, $0x2  }
0xc7: {  	s4 =	sand.u32 $0x4000, s31;
	s1 =	sadd.s32 s1, s30  }
0xc8: {  	s0 =	sor.u32 s4, s0;
	s1 =	sshll.u32 s1, $0x11  }
0xc9: {  	s0 =	sor.u32 s1, s0  }
0xca: {  	s0 =	sadd.s32 $0x8F2B, s0  }
0xcb: {  	[sflag:s0] =	ssyncadd.remote.s32 $0x1  }
0xcc: {  	_ =	sfence.sel $0xFFFF  }
0xcd: {  	[dreg:$0x0] =	wrdreg $0xFFFFFFFF;
	(pc) =	sbr.abs _section_cstart, $3  }
0xce: {  	[dreg:$0x1] =	wrdreg $0xFFFFFFFF  }
0xcf: {  	_ =	task.clear_ibuf [dreg:s22], $0x2FFFF;
	_ =	strace $0x9FFFFFFF  }
0xd0: {  	(tm) =	ssettm $0x7FFFFFFF  }
0xd1: {  	_ =	shalt  }
tec
execute0_lowered:
.L_overlay_start_1:
0x0: {  	(tag) =	ssettag $0x1  }
0x1: {  	s0 =	srdreg.scid  }
0x2: {  	s1 =	sshll.u32 s0, $0x4  }
0x3: {  	s0 =	stileid.u32;
	s1 =	sand.u32 $0x10, s1  }
0x4: {  	s2 =	sor.u32 s0, s1  }
0x5: {  	s3 =	smin.u32 s2, $0x10  }
0x6: {  	s1 =	sshrl.u32 s1, $0x4;
	s2 =	sadd.s32 s2, s3  }
0x7: {  	s1 =	ssub.s32 s2, s1  }
0x8: {  	s1 =	smul.u32 $0x38, s1;
	_ =	sdelay $0x1  }
0x9: {  	s2 =	smul.u32 $0x38, s2;
	s1 =	sadd.s32 $0x70, s1  }
0xa: {  	s3 =	smin.u32 s1, $0xA80  }
0xb: {  	s7 =	ssub.s32 s3, s2  }
0xc: {  	p0 =	sgt.s32 s7, $0x0  }
0xd: {  	s7 =	simm.s32 @!p0 $0x0  }
0xe: {  	s31 =	sand.u32 $0xFFF8, s7  }
0xf: {  	s1 =	sshrl.u32 s31, $0x3  }
0x10: {  	s1 =	smul.u32 $0x2493, s1  }
0x11: {  	s9 =	rddreg [dreg:$0x0];
	s6 =	simm.s32 $0x1;
	s11 =	simm.s32 $0x3  }
0x12: {  	s13 =	simm.s32 $0x0;
	s12 =	simm.s32 $0x0;
	s8 =	sshrl.u32 s1, $0x10  }
0x13: {  	s4 =	sadd.s32 $0x8400, s9;
	s5 =	sadd.s32 $0x5D400, s9;
	s10 =	smul.u32 $0x38, s8  }
.Ltmp0:
0x14: {  	s9 =	sadd.s32 $0x5D600, s9;
	s1 =	rddreg [dreg:$0x1];
	(pc) =	sbr.rel .LBB2_1-.Ltmp0, $4  }
0x15: {  	_ =	strace $0x8000004A;
	p0 =	sne.s32 s7, s10;
	s10 =	simm.s32 $0x1  }
0x16: {  	[sflag:s6] =	ssyncpa.u1 $0x0;
	s7 =	simm.s32 $0x2;
	s10 =	simm.s32 @!p0 $0x0  }
0x17: {  	[sflag:s7] =	ssyncpa.u1 $0x0;
	p0 =	por $0x0, $0x0;
	s8 =	sadd.s32 s8, s10  }
0x18: {  	vm0 =	vmmov $0xff;
	vm1 =	vcmask $0x3F20;
	[sflag:s11] =	ssyncpa.u1 $0x0;
	s11 =	smov.u32 s2;
	s10 =	sadd.s32 $0x1, s8  }
.LBB2_10:
0x19: {  	[hbm:s17] =	stream.linear.scatter [tilespmem:s14], [sflag:$0x3], $0x800, $0x38;
	[tilespmem:$0x7070] =	vst v63  }
.LBB2_11:
0x1a: {  	s13 =	sadd.s32 $0x38, s11  }
0x1b: {  	s15 =	smov.u32 s2;
	p2 =	slt.s32 s13, s3  }
0x1c: {  	s15 =	smov.u32 @p2 s13;
	p2 =	sne.s32 s12, s10  }
.Ltmp1:
0x1d: {  	p1 =	slt.u32 s12, $0x2;
	(pc) =	sbr.rel @!p2 .LBB2_12-.Ltmp1, $4  }
0x1e: {  	s14 =	simm.s32 @!p1 $0x3  }
0x1f: {  	s16 =	sadd.s32 $0x1, s12;
	_ =	swait.ge @!p1 [sflag:s14], $0x3800  }
0x20: {  	p0 =	por !p0, !p0;
	s13 =	smov.u32 s11;
	[sflag:s14] =	ssyncset.done @!p1 $0x0  }
0x21: {  	s12 =	smov.u32 s16;
	s11 =	smov.u32 s15;
	[sflag:s14] =	ssyncadd.s32 @!p1 $0xFFFFC800  }
.LBB2_1:
0x22: {  	p1 =	sge.u32 s12, s8  }
0x23: {  	s14 =	sxor.u32 @!p1 $0xFFFFFFFF, s12  }
0x24: {  	s14 =	sand.u32 @!p1 $0x1, s14  }
0x25: {  	s14 =	smul.u32 @!p1 $0xE0, s14  }
0x26: {  	s31 =	sadd.s32 $0xFFFFFFFF, s12;
	s15 =	sshrl.u32 @!p1 s11, $0x3  }
0x27: {  	s16 =	sand.u32 @!p1 $0x7, s11;
	s15 =	sadd.s32 @!p1 s5, s15;
	s14 =	sshrl.u32 @!p1 s14, $0x2  }
0x28: {  	[tilespmem:s14], [sflag:$0x2] =	stream.linear.gather @!p1 [hbm4b:s15+s16], $0x38, $0x38;
	[tilespmem:$0x7070] =	vst v63  }
0x29: {  	p1 =	sge.u32 s31, s8  }
.Ltmp2:
0x2a: {  	_ = 	snop;
	(pc) =	sbr.rel @p1 .LBB2_11-.Ltmp2, $1  }
0x2b: {  	_ =	sdelay $0x3  }
0x2c: {  	s15 =	sand.u32 $0x1, s12  }
0x2d: {  	s14 =	simm.s32 $0x1;
	s16 =	smul.u32 $0xE000, s15  }
0x2e: {  	_ =	swait.ge [sflag:s7], $0x38;
	s14 =	simm.s32 @!p0 $0x0;
	s15 =	smul.u32 $0xE0, s15  }
0x2f: {  	[sflag:s7] =	ssyncset.done $0x0;
	s14 =	smul.u32 $0xE000, s14  }
0x30: {  	[sflag:s7] =	ssyncadd.s32 $0xFFFFFFC8  }
0x31: {  	s17 =	sshrl.u32 s16, $0x2;
	s16 =	sshrl.u32 s15, $0x2;
	s14 =	sshrl.u32 s14, $0x2  }
0x32: {  	s15 =	sor.u32 $0x70, s17;
	s17 =	simm.s32 $0x0;
	s14 =	sor.u32 $0x70, s14  }
.LBB2_3:
0x33: {  	s18 =	sshll.u32 s17, $0x4  }
0x34: {  	s18 =	sand.u32 $0x3FFFFFF0, s18  }
0x35: {  	s18 =	sadd.s32 s18, s16  }
0x36: {  	v0 =	vld.msk [tilespmem:s18+$0x0 ss:$0x1], $0xffff;
	_ =	sdelay $0x4  }
0x37: {  	vm2 =	veq.s32 v0, $0x80000000  }
0x38: {  	v1 =	vshrl.u32 v0, $0xA;
	v2 =	vshll.u32 v0, $0xE;
	v0 =	vshll.u32 v0, $0x4  }
0x39: {  	v1 =	vand.u32 $0x7, v1;
	v2 =	vand.u32 $0x1FC000, v2;
	v0 =	vand.u32 $0x3800, v0  }
0x3a: {  	v1 =	vsel vm2, $0xFFFFFFFF, v1;
	v0 =	vor.u32 v0, v2  }
0x3b: {  	v0 =	vsel vm2, $0xFFFFB800, v0;
	v2 =	vand.u32 $0xFFFFF800, v1;
	v1 =	vshll.u32 v1, $0x7  }
0x3c: {  	s31 =	sshll.u32 s17, $0xC;
	v0 =	vadd.s32 v2, v0;
	v1 =	vand.u32 $0x380, v1  }
0x3d: {  	s18 =	sand.u32 $0x3FFFF000, s31;
	v0 =	vor.u32 v1, v0  }
0x3e: {  	p1 =	por $0x1, $0x1;
	s19 =	simm.s32 $0x0;
	s18 =	sadd.s32 s18, s15;
	v0 =	vshrl.u32 v0, $0x3  }
.LBB2_4:
0x3f: {  	_ =	sdelay $0x1  }
0x40: {  	s19 =	sshra.s32 s19, $0x2;
	p2 =	por p1, p1  }
.Ltmp3:
0x41: {  	s19 =	sadd.s32 s19, s18;
	(pc) =	sbr.rel @p2 .LBB2_4-.Ltmp3, $4  }
0x42: {  	[tilespmem:s19], [sflag:$0x1] =	stream.indirect_vreg.gather [hbm:s4], $0x80, v0, vm0, $0x38;
	[tilespmem:$0x7070] =	vst v63  }
0x43: {  	s19 =	sadd.s32 $0x800, s19  }
0x44: {  	[tilespmem:s19], [sflag:$0x1] =	stream.indirect_vreg.gather [hbm:s4], $0x80, v0, vm1, $0x38;
	[tilespmem:$0x7070] =	vst v63  }
0x45: {  	p1 =	por $0x0, $0x0;
	v0 =	vadd.s32 $0x80, v0;
	s19 =	simm.s32 $0x1000  }
0x46: {  	s17 =	sadd.s32 $0x1, s17  }
0x47: {  	p1 =	sne.s32 s17, $0x3  }
.Ltmp4:
0x48: {  	_ = 	snop;
	(pc) =	sbr.rel @p1 .LBB2_3-.Ltmp4, $1  }
0x49: {  	_ =	sdelay $0x3  }
0x4a: {  	v0 =	vld.msk [tilespmem:s16+$0x30 ss:$0x1], $0xff;
	_ =	sdelay $0x4  }
0x4b: {  	vm2 =	veq.s32 v0, $0x80000000  }
0x4c: {  	v1 =	vshrl.u32 v0, $0xA;
	v2 =	vshll.u32 v0, $0xE;
	v0 =	vshll.u32 v0, $0x4  }
0x4d: {  	v1 =	vand.u32 $0x7, v1;
	v2 =	vand.u32 $0x1FC000, v2;
	v0 =	vand.u32 $0x3800, v0  }
0x4e: {  	v1 =	vsel vm2, $0xFFFFFFFF, v1;
	v0 =	vor.u32 v0, v2  }
0x4f: {  	v0 =	vsel vm2, $0xFFFFB800, v0;
	v2 =	vand.u32 $0xFFFFF800, v1;
	v1 =	vshll.u32 v1, $0x7  }
0x50: {  	v0 =	vadd.s32 v2, v0;
	v1 =	vand.u32 $0x380, v1  }
0x51: {  	v0 =	vor.u32 v1, v0  }
0x52: {  	s16 =	simm.s32 $0x0;
	p1 =	por $0x1, $0x1;
	v0 =	vshrl.u32 v0, $0x3  }
.LBB2_7:
0x53: {  	p2 =	por p1, p1  }
.Ltmp5:
0x54: {  	s16 =	sshra.s32 s16, $0x2;
	(pc) =	sbr.rel @p2 .LBB2_7-.Ltmp5, $4  }
0x55: {  	s16 =	sadd.s32 s16, s15  }
0x56: {  	s16 =	sadd.s32 $0x3000, s16  }
0x57: {  	[tilespmem:s16], [sflag:$0x1] =	stream.indirect_vreg.gather [hbm:s4], $0x80, v0, vm0, $0x38;
	[tilespmem:$0x7070] =	vst v63  }
0x58: {  	p1 =	por $0x0, $0x0;
	v0 =	vadd.s32 $0x80, v0;
	s16 =	simm.s32 $0x1000  }
0x59: {  	s15 =	sshll.u32 s13, $0x5  }
0x5a: {  	s31 =	sshll.u32 s13, $0x4;
	s15 =	sand.u32 $0xFFFFFF00, s15  }
0x5b: {  	_ =	swait.ge [sflag:s6], $0x3800;
	s13 =	sand.u32 $0x70, s31;
	s15 =	sadd.s32 s15, s9  }
0x5c: {  	s16 =	sadd.s32 $0x800, s14;
	[sflag:s6] =	ssyncset.done $0x0;
	s13 =	sadd.s32 s13, s15  }
0x5d: {  	[sflag:s6] =	ssyncadd.s32 $0xFFFFC800;
	s15 =	simm.s32 $0x100;
	s17 =	sadd.s32 $0x0, s13  }
.LBB2_9:
0x5e: {  	[hbm:s17] =	stream.linear.scatter [tilespmem:s14], [sflag:$0x3], $0x800, $0x38;
	[tilespmem:$0x7070] =	vst v63  }
0x5f: {  	s17 =	smov.u32 s15;
	s14 =	smov.u32 s16;
	p1 =	sne.s32 s15, $0x600  }
.Ltmp6:
0x60: {  	s15 =	sadd.s32 $0x100, s15;
	(pc) =	sbr.rel @p1 .LBB2_9-.Ltmp6, $2  }
0x61: {  	_ =	sdelay $0x2  }
0x62: {  	s16 =	sadd.s32 $0x800, s16;
	s17 =	sadd.s32 s17, s13  }
.Ltmp7:
0x63: {  	_ = 	snop;
	(pc) =	sbr.rel .LBB2_10-.Ltmp7, $1  }
0x64: {  	_ =	sdelay $0x3  }
.LBB2_12:
0x65: {  	_ =	sfence.sel $0x180000  }
0x66: {  	s2 =	simm.s32 $0x2;
	[bflag:$0x0] =	sbarrier.arrive $0xFFFF  }
0x67: {  	s30 =	simm.s32 $0x3;
	[sflag:s2] =	ssyncpa.u1 $0x1  }
0x68: {  	s31 =	simm.s32 $0x1;
	[sflag:s30] =	ssyncpa.u1 $0x1  }
0x69: {  	[sflag:s31] =	ssyncpa.u1 $0x1  }
0x6a: {  	p0 =	sne.s32 s0, $0x0;
	_ =	strace $0x9000004A  }
0x6b: {  	s0 =	sadd.s32 @!p0 $0x100000, s1;
	[bflag:$0x2] =	sbarrier.arrive $0xFFFF  }
0x6c: {  	[sflag:s0] =	ssyncadd.tile.s32 @!p0 $0x1;
	_ =	shalt  }
.Lfunc_end2:
_tile_overlayer_lowered:
.L_overlay_start_2:
0x6d: {  	(tag) =	ssettag $0x2  }
0x6e: {  	s0 =	rddreg [dreg:$0x0];
	s2 =	stileid.u32  }
0x6f: {  	s1 =	rddreg [dreg:$0x1];
	p0 =	sne.s32 s2, $0x0  }
0x70: {  	s3 =	rddreg [dreg:$0x2];
	[bflag:$0x3] =	sbarrier.arrive $0xFFFF;
	s2 =	simm.s32 @!p0 $0x1C01  }
0x71: {  	[timem:s3], [sflag:s2] =	dma.local @!p0 [hbm:s0], s1  }
0x72: {  	s0 =	simm.s32 @!p0 $0x1  }
0x73: {  	_ =	swait.ge @!p0 [sflag:s0], s1  }
0x74: {  	s1 =	ssub.s32 @!p0 $0x0, s1;
	[sflag:s0] =	ssyncset.done @!p0 $0x0  }
0x75: {  	[sflag:s0] =	ssyncadd.s32 @!p0 s1  }
0x76: {  	[bflag:$0x3] =	sbarrier.arrive $0xFFFF  }
0x77: {  	_ =	shalt  }

// kernel: gather_offload_async_start.2
scs
__scs_entry_jumppad:
0x0: {  	(pc) =	sbr.rel $0x88, $3  }
0x1: {  	(tag) =	ssettag $0x0;
	lr =	simm.s32 $0x1  }
0x2: {  	[smem:$0x3F71] =	sst lr;
	_ =	strace $0xD0000000  }
0x3: {  	_ = 	snop  }
0x4: {  	_ = 	snop  }
0x5: {  	_ = 	snop  }
0x6: {  	_ = 	snop  }
0x7: {  	_ = 	snop  }
__scs_overlays_trampoline_lowered:
0x8: {  	[smem:$0x3F80] =	sst s0  }
0x9: {  	[smem:$0x3F81] =	sst s1  }
0xa: {  	[smem:$0x3F82] =	sst s2  }
0xb: {  	[smem:$0x3F83] =	sst s3  }
0xc: {  	[smem:$0x3F84] =	sst s4  }
0xd: {  	[smem:$0x3F85] =	sst s5  }
0xe: {  	[smem:$0x3F86] =	sst s6  }
0xf: {  	[smem:$0x3F87] =	sst s7  }
0x10: {  	[smem:$0x3F88] =	sst s8  }
0x11: {  	[smem:$0x3F89] =	sst s9;
	s0 =	simm.s32 @!p0 $0x0  }
0x12: {  	s1 =	sld [smem:$0x3F6F];
	s0 =	simm.s32 @p0 $0x1  }
0x13: {  	[smem:$0x3F8A] =	sst s0;
	s0 =	simm.s32 @!p1 $0x0  }
0x14: {  	s2 =	sld [smem:$0x3F6E];
	s0 =	simm.s32 @p1 $0x1  }
0x15: {  	[smem:$0x3F8B] =	sst s0;
	s0 =	simm.s32 @!p2 $0x0  }
0x16: {  	s3 =	sld [smem:$0x3FDB];
	s0 =	simm.s32 @p2 $0x1  }
0x17: {  	s4 =	simm.s32 $0x1BF5;
	[smem:$0x3F8D] =	sst s0  }
0x18: {  	s0 =	sld [smem:$0x3F70];
	_ =	swait.ge [sflag:s4], $0x0  }
0x19: {  	s7 =	sld [smem:$0x3F71]  }
0x1a: {  	s8 =	sadd.s32 $0xFFFFE003, lr  }
0x1b: {  	s9 =	sadd.s32 $0xFFFFFEF7, lr;
	s5 =	simm.s32 $0xFFFFFFFF;
	p2 =	slt.u32 s8, $0xFFFFF086  }
0x1c: {  	p1 =	slt.u32 s9, $0xF7A;
	s5 =	simm.s32 @!p2 $0x0  }
0x1d: {  	s5 =	simm.s32 @p1 $0x1;
	p0 =	seq.s32 s7, s2  }
0x1e: {  	s7 =	smul.u32 @!p0 $0xF7A, s2;
	p2 =	seq.s32 @!p0 s5, $0x0  }
0x1f: {  	s9 =	smul.u32 $0xF7A, s1;
	s8 =	simm.s32 @!p0 $0x1BF5;
	p2 =	por !p2, p0  }
0x20: {  	[sflag:s8] =	ssyncset.s32 @!p0 $0xFFFFF086;
	s6 =	sadd.s32 @!p0 s3, s7;
	s7 =	simm.s32 @!p0 $0x108  }
0x21: {  	s3 =	sadd.s32 s3, s9;
	s6 =	sadd.s32 @!p0 $0x88, s6;
	s7 =	simm.s32 @p2 $0x1082  }
0x22: {  	[simem:s7], [sflag:s8] =	dma.local @!p0 [hbm:s6], $0xF7A  }
0x23: {  	s9 =	sor.u32 $0xD0000000, s2;
	s6 =	simm.s32 $0x108;
	_ =	swait.ge @!p0 [sflag:s8], $0x0  }
0x24: {  	s3 =	sadd.s32 $0x88, s3;
	s6 =	simm.s32 @!p1 $0x1082;
	[sflag:s4] =	ssyncset.s32 $0xFFFFF086  }
0x25: {  	[simem:s6], [sflag:s4] =	dma.local [hbm:s3], $0xF7A  }
0x26: {  	[smem:$0x3F71] =	sst s1;
	(tag) =	ssettag s2;
	_ =	strace s9  }
0x27: {  	s1 =	sld [smem:$0x3F81]  }
0x28: {  	s2 =	sld [smem:$0x3F82]  }
0x29: {  	s4 =	sld [smem:$0x3F84]  }
0x2a: {  	p0 =	seq.s32 s5, $0x0;
	s5 =	sld [smem:$0x3F85]  }
0x2b: {  	s6 =	sld [smem:$0x3F86]  }
0x2c: {  	s7 =	sld [smem:$0x3F87]  }
0x2d: {  	s3 =	simm.s32 $0x108;
	s8 =	sld [smem:$0x3F88]  }
0x2e: {  	s3 =	simm.s32 @!p0 $0x1082;
	s9 =	sld [smem:$0x3F89]  }
0x2f: {  	lr =	sadd.s32 s0, s3;
	s0 =	sld [smem:$0x3F80]  }
0x30: {  	s3 =	sld [smem:$0x3F83]  }
0x31: {  	[smem:$0x3F8C] =	sst s10  }
0x32: {  	s10 =	sld [smem:$0x3F8A];
	_ =	sdelay $0x3  }
0x33: {  	p0 =	seq.s32 s10, $0x1;
	s10 =	sld [smem:$0x3F8C];
	_ =	sdelay $0x3  }
0x34: {  	[smem:$0x3F8C] =	sst s10  }
0x35: {  	s10 =	sld [smem:$0x3F8B];
	_ =	sdelay $0x3  }
0x36: {  	p1 =	seq.s32 s10, $0x1;
	s10 =	sld [smem:$0x3F8C];
	_ =	sdelay $0x3  }
0x37: {  	[smem:$0x3F8C] =	sst s10  }
0x38: {  	s10 =	sld [smem:$0x3F8D]  }
0x39: {  	_ = 	snop;
	(pc) =	sbr.ind lr, $3  }
0x3a: {  	_ = 	snop  }
0x3b: {  	_ = 	snop  }
0x3c: {  	p2 =	seq.s32 s10, $0x1;
	s10 =	sld [smem:$0x3F8C]  }
0x3d: {  	_ =	shalt  }
0x3e: {  	_ =	shalt  }
0x3f: {  	_ =	shalt  }
0x40: {  	_ =	shalt  }
0x41: {  	_ =	shalt  }
0x42: {  	_ =	shalt  }
0x43: {  	_ =	shalt  }
0x44: {  	_ =	shalt  }
0x45: {  	_ =	shalt  }
0x46: {  	_ =	shalt  }
0x47: {  	_ =	shalt  }
0x48: {  	_ =	shalt  }
0x49: {  	_ =	shalt  }
0x4a: {  	_ =	shalt  }
0x4b: {  	_ =	shalt  }
0x4c: {  	_ =	shalt  }
0x4d: {  	_ =	shalt  }
0x4e: {  	_ =	shalt  }
0x4f: {  	_ =	shalt  }
0x50: {  	_ =	shalt  }
0x51: {  	_ =	shalt  }
0x52: {  	_ =	shalt  }
0x53: {  	_ =	shalt  }
0x54: {  	_ =	shalt  }
0x55: {  	_ =	shalt  }
0x56: {  	_ =	shalt  }
0x57: {  	_ =	shalt  }
0x58: {  	_ =	shalt  }
0x59: {  	_ =	shalt  }
0x5a: {  	_ =	shalt  }
0x5b: {  	_ =	shalt  }
0x5c: {  	_ =	shalt  }
0x5d: {  	_ =	shalt  }
0x5e: {  	_ =	shalt  }
0x5f: {  	_ =	shalt  }
0x60: {  	_ =	shalt  }
0x61: {  	_ =	shalt  }
0x62: {  	_ =	shalt  }
0x63: {  	_ =	shalt  }
0x64: {  	_ =	shalt  }
0x65: {  	_ =	shalt  }
0x66: {  	_ =	shalt  }
0x67: {  	_ =	shalt  }
0x68: {  	_ =	shalt  }
0x69: {  	_ =	shalt  }
0x6a: {  	_ =	shalt  }
0x6b: {  	_ =	shalt  }
0x6c: {  	_ =	shalt  }
0x6d: {  	_ =	shalt  }
0x6e: {  	_ =	shalt  }
0x6f: {  	_ =	shalt  }
0x70: {  	_ =	shalt  }
0x71: {  	_ =	shalt  }
0x72: {  	_ =	shalt  }
0x73: {  	_ =	shalt  }
0x74: {  	_ =	shalt  }
0x75: {  	_ =	shalt  }
0x76: {  	_ =	shalt  }
0x77: {  	_ =	shalt  }
0x78: {  	_ =	shalt  }
0x79: {  	_ =	shalt  }
0x7a: {  	_ =	shalt  }
0x7b: {  	_ =	shalt  }
0x7c: {  	_ =	shalt  }
0x7d: {  	_ =	shalt  }
0x7e: {  	_ =	shalt  }
0x7f: {  	_ =	shalt  }
0x80: {  	_ =	shalt  }
0x81: {  	_ =	shalt  }
0x82: {  	_ =	shalt  }
0x83: {  	_ =	shalt  }
0x84: {  	_ =	shalt  }
0x85: {  	_ =	shalt  }
0x86: {  	_ =	shalt  }
0x87: {  	_ =	shalt  }
.Lfunc_end0:
.L_simem_size_0:
called_computation.6_lowered:
.L_overlay_start_0:
0x88: {  	s2 =	sld [smem:$0x3FD9]  }
0x89: {  	s3 =	sld [smem:$0x3FFE];
	_ =	sdelay $0x1  }
0x8a: {  	s1 =	srdreg.scid  }
0x8b: {  	s0 =	sand.u32 $0x1, s1  }
0x8c: {  	s17 =	sshll.u32 s0, $0xA;
	s2 =	sadd.s32 s3, s2  }
0x8d: {  	s2 =	sadd.s32 s2, s17  }
0x8e: {  	[smem:$0x3F98] =	sst s2  }
0x8f: {  	_ = 	snop  }
0x90: {  	(tm) =	ssettm $0x1  }
0x91: {  	s18 =	sld [smem:$0x3FFB];
	_ =	sdelay $0x3  }
0x92: {  	_ =	strace s18  }
0x93: {  	s2 =	sld [smem:$0x3FFC];
	_ =	sdelay $0x3  }
0x94: {  	_ =	strace s2  }
0x95: {  	s2 =	sld [smem:$0x3FFD];
	_ =	sdelay $0x3  }
0x96: {  	_ =	strace s2  }
0x97: {  	_ =	strace $0x8FFFFFFF  }
0x98: {  	s19 =	sld [smem:$0x3FDB];
	_ =	sdelay $0x1  }
0x99: {  	s20 =	simm.s32 $_scs_section_size  }
0x9a: {  	s4 =	simm.s32 $_size__tile_overlayer_lowered;
	s5 =	simm.s32 $_tile_overlayer_lowered  }
0x9b: {  	s6 =	simm.s32 $0x1BFF;
	s21 =	sshll.u32 s5, $0x1;
	s3 =	sadd.s32 s20, s19  }
0x9c: {  	s22 =	simm.s32 $0x0;
	s4 =	sshll.u32 s4, $0x1;
	s5 =	sadd.s32 s21, s3  }
0x9d: {  	[timem:s22], [sflag:s6] =	dma.local [hbm:s5], s4  }
0x9e: {  	_ =	swait.ge [sflag:s6], s4  }
0x9f: {  	s4 =	ssub.s32 $0x0, s4;
	[sflag:s6] =	ssyncset.done $0x0  }
0xa0: {  	[sflag:s6] =	ssyncadd.s32 s4;
	_ =	sdelay $0x1  }
0xa1: {  	s23 =	simm.s32 $0x1B8B  }
0xa2: {  	_ =	swait.ge [sflag:s23], $0x1  }
0xa3: {  	[sflag:s23] =	ssyncset.done $0x0  }
0xa4: {  	[sflag:s23] =	ssyncadd.s32 $0xFFFFFFFF  }
0xa5: {  	s4 =	sld [smem:$0x0]  }
0xa6: {  	s5 =	sand.u32 $0xFFFFFFFE, s1  }
0xa7: {  	p0 =	sne.s32 s1, s5  }
0xa8: {  	s5 =	sshll.u32 @p0 s5, $0xE  }
0xa9: {  	s5 =	sadd.s32 @p0 $0x11B8D, s5;
	s6 =	sshll.u32 @p0 s4, $0x11  }
0xaa: {  	s5 =	sor.u32 @p0 s6, s5  }
0xab: {  	[sflag:s5] =	ssyncadd.remote.s32 @p0 $0x1;
	_ =	sdelay $0x1  }
0xac: {  	s5 =	simm.s32 @p0 $0x1B8D  }
0xad: {  	_ =	swait.eq @p0 [sflag:s5], $0x1  }
0xae: {  	[sflag:s5] =	ssyncadd.s32 @p0 $0xFFFFFFFF  }
0xaf: {  	s6 =	sshll.u32 @!p0 s1, $0xE  }
0xb0: {  	s6 =	sor.u32 @!p0 $0x4000, s6;
	s5 =	simm.s32 @!p0 $0x1B8D  }
0xb1: {  	s4 =	sshll.u32 @!p0 s4, $0x11;
	s6 =	sadd.s32 @!p0 $0x11B8D, s6;
	_ =	swait.eq @!p0 [sflag:s5], $0x1  }
0xb2: {  	s4 =	sor.u32 @!p0 s4, s6;
	[sflag:s5] =	ssyncadd.s32 @!p0 $0xFFFFFFFF  }
0xb3: {  	s25 =	simm.s32 $0x1B8E;
	s24 =	sld [smem:$0x3FFE];
	[sflag:s4] =	ssyncadd.remote.s32 @!p0 $0x1  }
0xb4: {  	s26 =	simm.s32 $execute0_lowered;
	[smem:$0x3FD2] =	sst s25  }
0xb5: {  	s5 =	sshll.u32 s26, $0x1;
	_ =	strace $0x8000004C;
	[dreg:$0x1] =	wrdreg $0xFFFFFFFF  }
0xb6: {  	s28 =	simm.s32 $_size_execute0_lowered;
	s3 =	sadd.s32 s3, s5;
	[dreg:$0x0] =	wrdreg $0x0  }
0xb7: {  	s5 =	sshll.u32 s28, $0x1;
	[dreg:$0x2] =	wrdreg s3  }
0xb8: {  	[dreg:$0x3] =	wrdreg s5  }
0xb9: {  	[dreg:$0x4] =	wrdreg $0xC0  }
0xba: {  	_ =	task [dreg:s22], $0x5FFFF  }
0xbb: {  	[dreg:$0x1] =	wrdreg $0xFFFFFFFF  }
0xbc: {  	[dreg:$0x0] =	wrdreg $0x60  }
0xbd: {  	[dreg:$0x2] =	wrdreg s24  }
0xbe: {  	[dreg:$0x3] =	wrdreg $0xB  }
0xbf: {  	_ =	task.clear_ibuf [dreg:s22], $0x4FFFF;
	_ =	strace $0x9000004C  }
0xc0: {  	s29 =	simm.s32 $0xB;
	_ =	strace $0x8000004E  }
0xc1: {  	_ =	swait.ge [sflag:s29], $0x1  }
0xc2: {  	[sflag:s29] =	ssyncadd.s32 $0xFFFFFFFF  }
0xc3: {  	_ =	strace $0x9000004E  }
0xc4: {  	_ =	sfence  }
0xc5: {  	s30 =	sld [smem:$0x0];
	_ =	sdelay $0x2  }
0xc6: {  	s31 =	sshll.u32 s1, $0xD;
	s1 =	sshrl.u32 s1, $0x2  }
0xc7: {  	s4 =	sand.u32 $0x4000, s31;
	s1 =	sadd.s32 s1, s30  }
0xc8: {  	s0 =	sor.u32 s4, s0;
	s1 =	sshll.u32 s1, $0x11  }
0xc9: {  	s0 =	sor.u32 s1, s0  }
0xca: {  	s0 =	sadd.s32 $0x8F2B, s0  }
0xcb: {  	[sflag:s0] =	ssyncadd.remote.s32 $0x1  }
0xcc: {  	_ =	sfence.sel $0xFFFF  }
0xcd: {  	[dreg:$0x0] =	wrdreg $0xFFFFFFFF;
	(pc) =	sbr.abs _section_cstart, $3  }
0xce: {  	[dreg:$0x1] =	wrdreg $0xFFFFFFFF  }
0xcf: {  	_ =	task.clear_ibuf [dreg:s22], $0x2FFFF;
	_ =	strace $0x9FFFFFFF  }
0xd0: {  	(tm) =	ssettm $0x7FFFFFFF  }
0xd1: {  	_ =	shalt  }
tec
execute0_lowered:
.L_overlay_start_1:
0x0: {  	(tag) =	ssettag $0x1  }
0x1: {  	s0 =	srdreg.scid  }
0x2: {  	s1 =	sshll.u32 s0, $0x4  }
0x3: {  	s0 =	stileid.u32;
	s1 =	sand.u32 $0x10, s1  }
0x4: {  	s2 =	sor.u32 s0, s1  }
0x5: {  	s3 =	smin.u32 s2, $0x10  }
0x6: {  	s1 =	sshrl.u32 s1, $0x4;
	s2 =	sadd.s32 s2, s3  }
0x7: {  	s1 =	ssub.s32 s2, s1  }
0x8: {  	s1 =	smul.u32 $0x38, s1;
	_ =	sdelay $0x1  }
0x9: {  	s2 =	smul.u32 $0x38, s2;
	s1 =	sadd.s32 $0x70, s1  }
0xa: {  	s3 =	smin.u32 s1, $0xA80  }
0xb: {  	s7 =	ssub.s32 s3, s2  }
0xc: {  	p0 =	sgt.s32 s7, $0x0  }
0xd: {  	s7 =	simm.s32 @!p0 $0x0  }
0xe: {  	s31 =	sand.u32 $0xFFF8, s7  }
0xf: {  	s1 =	sshrl.u32 s31, $0x3  }
0x10: {  	s1 =	smul.u32 $0x2493, s1  }
0x11: {  	s9 =	rddreg [dreg:$0x0];
	s6 =	simm.s32 $0x1;
	s11 =	simm.s32 $0x3  }
0x12: {  	s13 =	simm.s32 $0x0;
	s12 =	simm.s32 $0x0;
	s8 =	sshrl.u32 s1, $0x10  }
0x13: {  	s4 =	sadd.s32 $0x8400, s9;
	s5 =	sadd.s32 $0x7E00, s9;
	s10 =	smul.u32 $0x38, s8  }
.Ltmp0:
0x14: {  	s9 =	sadd.s32 $0x72600, s9;
	s1 =	rddreg [dreg:$0x1];
	(pc) =	sbr.rel .LBB2_1-.Ltmp0, $4  }
0x15: {  	_ =	strace $0x8000004D;
	p0 =	sne.s32 s7, s10;
	s10 =	simm.s32 $0x1  }
0x16: {  	[sflag:s6] =	ssyncpa.u1 $0x0;
	s7 =	simm.s32 $0x2;
	s10 =	simm.s32 @!p0 $0x0  }
0x17: {  	[sflag:s7] =	ssyncpa.u1 $0x0;
	p0 =	por $0x0, $0x0;
	s8 =	sadd.s32 s8, s10  }
0x18: {  	vm0 =	vmmov $0xff;
	vm1 =	vcmask $0x3F20;
	[sflag:s11] =	ssyncpa.u1 $0x0;
	s11 =	smov.u32 s2;
	s10 =	sadd.s32 $0x1, s8  }
.LBB2_10:
0x19: {  	[hbm:s17] =	stream.linear.scatter [tilespmem:s14], [sflag:$0x3], $0x800, $0x38;
	[tilespmem:$0x7070] =	vst v63  }
.LBB2_11:
0x1a: {  	s13 =	sadd.s32 $0x38, s11  }
0x1b: {  	s15 =	smov.u32 s2;
	p2 =	slt.s32 s13, s3  }
0x1c: {  	s15 =	smov.u32 @p2 s13;
	p2 =	sne.s32 s12, s10  }
.Ltmp1:
0x1d: {  	p1 =	slt.u32 s12, $0x2;
	(pc) =	sbr.rel @!p2 .LBB2_12-.Ltmp1, $4  }
0x1e: {  	s14 =	simm.s32 @!p1 $0x3  }
0x1f: {  	s16 =	sadd.s32 $0x1, s12;
	_ =	swait.ge @!p1 [sflag:s14], $0x3800  }
0x20: {  	p0 =	por !p0, !p0;
	s13 =	smov.u32 s11;
	[sflag:s14] =	ssyncset.done @!p1 $0x0  }
0x21: {  	s12 =	smov.u32 s16;
	s11 =	smov.u32 s15;
	[sflag:s14] =	ssyncadd.s32 @!p1 $0xFFFFC800  }
.LBB2_1:
0x22: {  	p1 =	sge.u32 s12, s8  }
0x23: {  	s14 =	sxor.u32 @!p1 $0xFFFFFFFF, s12  }
0x24: {  	s14 =	sand.u32 @!p1 $0x1, s14  }
0x25: {  	s14 =	smul.u32 @!p1 $0xE0, s14  }
0x26: {  	s31 =	sadd.s32 $0xFFFFFFFF, s12;
	s15 =	sshrl.u32 @!p1 s11, $0x3  }
0x27: {  	s16 =	sand.u32 @!p1 $0x7, s11;
	s15 =	sadd.s32 @!p1 s5, s15;
	s14 =	sshrl.u32 @!p1 s14, $0x2  }
0x28: {  	[tilespmem:s14], [sflag:$0x2] =	stream.linear.gather @!p1 [hbm4b:s15+s16], $0x38, $0x38;
	[tilespmem:$0x7070] =	vst v63  }
0x29: {  	p1 =	sge.u32 s31, s8  }
.Ltmp2:
0x2a: {  	_ = 	snop;
	(pc) =	sbr.rel @p1 .LBB2_11-.Ltmp2, $1  }
0x2b: {  	_ =	sdelay $0x3  }
0x2c: {  	s15 =	sand.u32 $0x1, s12  }
0x2d: {  	s14 =	simm.s32 $0x1;
	s16 =	smul.u32 $0xE000, s15  }
0x2e: {  	_ =	swait.ge [sflag:s7], $0x38;
	s14 =	simm.s32 @!p0 $0x0;
	s15 =	smul.u32 $0xE0, s15  }
0x2f: {  	[sflag:s7] =	ssyncset.done $0x0;
	s14 =	smul.u32 $0xE000, s14  }
0x30: {  	[sflag:s7] =	ssyncadd.s32 $0xFFFFFFC8  }
0x31: {  	s17 =	sshrl.u32 s16, $0x2;
	s16 =	sshrl.u32 s15, $0x2;
	s14 =	sshrl.u32 s14, $0x2  }
0x32: {  	s15 =	sor.u32 $0x70, s17;
	s17 =	simm.s32 $0x0;
	s14 =	sor.u32 $0x70, s14  }
.LBB2_3:
0x33: {  	s18 =	sshll.u32 s17, $0x4  }
0x34: {  	s18 =	sand.u32 $0x3FFFFFF0, s18  }
0x35: {  	s18 =	sadd.s32 s18, s16  }
0x36: {  	v0 =	vld.msk [tilespmem:s18+$0x0 ss:$0x1], $0xffff;
	_ =	sdelay $0x4  }
0x37: {  	vm2 =	veq.s32 v0, $0x80000000  }
0x38: {  	v1 =	vshrl.u32 v0, $0xA;
	v2 =	vshll.u32 v0, $0xE;
	v0 =	vshll.u32 v0, $0x4  }
0x39: {  	v1 =	vand.u32 $0x7, v1;
	v2 =	vand.u32 $0x1FC000, v2;
	v0 =	vand.u32 $0x3800, v0  }
0x3a: {  	v1 =	vsel vm2, $0xFFFFFFFF, v1;
	v0 =	vor.u32 v0, v2  }
0x3b: {  	v0 =	vsel vm2, $0xFFFFB800, v0;
	v2 =	vand.u32 $0xFFFFF800, v1;
	v1 =	vshll.u32 v1, $0x7  }
0x3c: {  	s31 =	sshll.u32 s17, $0xC;
	v0 =	vadd.s32 v2, v0;
	v1 =	vand.u32 $0x380, v1  }
0x3d: {  	s18 =	sand.u32 $0x3FFFF000, s31;
	v0 =	vor.u32 v1, v0  }
0x3e: {  	p1 =	por $0x1, $0x1;
	s19 =	simm.s32 $0x0;
	s18 =	sadd.s32 s18, s15;
	v0 =	vshrl.u32 v0, $0x3  }
.LBB2_4:
0x3f: {  	_ =	sdelay $0x1  }
0x40: {  	s19 =	sshra.s32 s19, $0x2;
	p2 =	por p1, p1  }
.Ltmp3:
0x41: {  	s19 =	sadd.s32 s19, s18;
	(pc) =	sbr.rel @p2 .LBB2_4-.Ltmp3, $4  }
0x42: {  	[tilespmem:s19], [sflag:$0x1] =	stream.indirect_vreg.gather [hbm:s4], $0x80, v0, vm0, $0x38;
	[tilespmem:$0x7070] =	vst v63  }
0x43: {  	s19 =	sadd.s32 $0x800, s19  }
0x44: {  	[tilespmem:s19], [sflag:$0x1] =	stream.indirect_vreg.gather [hbm:s4], $0x80, v0, vm1, $0x38;
	[tilespmem:$0x7070] =	vst v63  }
0x45: {  	p1 =	por $0x0, $0x0;
	v0 =	vadd.s32 $0x80, v0;
	s19 =	simm.s32 $0x1000  }
0x46: {  	s17 =	sadd.s32 $0x1, s17  }
0x47: {  	p1 =	sne.s32 s17, $0x3  }
.Ltmp4:
0x48: {  	_ = 	snop;
	(pc) =	sbr.rel @p1 .LBB2_3-.Ltmp4, $1  }
0x49: {  	_ =	sdelay $0x3  }
0x4a: {  	v0 =	vld.msk [tilespmem:s16+$0x30 ss:$0x1], $0xff;
	_ =	sdelay $0x4  }
0x4b: {  	vm2 =	veq.s32 v0, $0x80000000  }
0x4c: {  	v1 =	vshrl.u32 v0, $0xA;
	v2 =	vshll.u32 v0, $0xE;
	v0 =	vshll.u32 v0, $0x4  }
0x4d: {  	v1 =	vand.u32 $0x7, v1;
	v2 =	vand.u32 $0x1FC000, v2;
	v0 =	vand.u32 $0x3800, v0  }
0x4e: {  	v1 =	vsel vm2, $0xFFFFFFFF, v1;
	v0 =	vor.u32 v0, v2  }
0x4f: {  	v0 =	vsel vm2, $0xFFFFB800, v0;
	v2 =	vand.u32 $0xFFFFF800, v1;
	v1 =	vshll.u32 v1, $0x7  }
0x50: {  	v0 =	vadd.s32 v2, v0;
	v1 =	vand.u32 $0x380, v1  }
0x51: {  	v0 =	vor.u32 v1, v0  }
0x52: {  	s16 =	simm.s32 $0x0;
	p1 =	por $0x1, $0x1;
	v0 =	vshrl.u32 v0, $0x3  }
.LBB2_7:
0x53: {  	p2 =	por p1, p1  }
.Ltmp5:
0x54: {  	s16 =	sshra.s32 s16, $0x2;
	(pc) =	sbr.rel @p2 .LBB2_7-.Ltmp5, $4  }
0x55: {  	s16 =	sadd.s32 s16, s15  }
0x56: {  	s16 =	sadd.s32 $0x3000, s16  }
0x57: {  	[tilespmem:s16], [sflag:$0x1] =	stream.indirect_vreg.gather [hbm:s4], $0x80, v0, vm0, $0x38;
	[tilespmem:$0x7070] =	vst v63  }
0x58: {  	p1 =	por $0x0, $0x0;
	v0 =	vadd.s32 $0x80, v0;
	s16 =	simm.s32 $0x1000  }
0x59: {  	s15 =	sshll.u32 s13, $0x5  }
0x5a: {  	s31 =	sshll.u32 s13, $0x4;
	s15 =	sand.u32 $0xFFFFFF00, s15  }
0x5b: {  	_ =	swait.ge [sflag:s6], $0x3800;
	s13 =	sand.u32 $0x70, s31;
	s15 =	sadd.s32 s15, s9  }
0x5c: {  	s16 =	sadd.s32 $0x800, s14;
	[sflag:s6] =	ssyncset.done $0x0;
	s13 =	sadd.s32 s13, s15  }
0x5d: {  	[sflag:s6] =	ssyncadd.s32 $0xFFFFC800;
	s15 =	simm.s32 $0x100;
	s17 =	sadd.s32 $0x0, s13  }
.LBB2_9:
0x5e: {  	[hbm:s17] =	stream.linear.scatter [tilespmem:s14], [sflag:$0x3], $0x800, $0x38;
	[tilespmem:$0x7070] =	vst v63  }
0x5f: {  	s17 =	smov.u32 s15;
	s14 =	smov.u32 s16;
	p1 =	sne.s32 s15, $0x600  }
.Ltmp6:
0x60: {  	s15 =	sadd.s32 $0x100, s15;
	(pc) =	sbr.rel @p1 .LBB2_9-.Ltmp6, $2  }
0x61: {  	_ =	sdelay $0x2  }
0x62: {  	s16 =	sadd.s32 $0x800, s16;
	s17 =	sadd.s32 s17, s13  }
.Ltmp7:
0x63: {  	_ = 	snop;
	(pc) =	sbr.rel .LBB2_10-.Ltmp7, $1  }
0x64: {  	_ =	sdelay $0x3  }
.LBB2_12:
0x65: {  	_ =	sfence.sel $0x180000  }
0x66: {  	s2 =	simm.s32 $0x2;
	[bflag:$0x0] =	sbarrier.arrive $0xFFFF  }
0x67: {  	s30 =	simm.s32 $0x3;
	[sflag:s2] =	ssyncpa.u1 $0x1  }
0x68: {  	s31 =	simm.s32 $0x1;
	[sflag:s30] =	ssyncpa.u1 $0x1  }
0x69: {  	[sflag:s31] =	ssyncpa.u1 $0x1  }
0x6a: {  	p0 =	sne.s32 s0, $0x0;
	_ =	strace $0x9000004D  }
0x6b: {  	s0 =	sadd.s32 @!p0 $0x100000, s1;
	[bflag:$0x2] =	sbarrier.arrive $0xFFFF  }
0x6c: {  	[sflag:s0] =	ssyncadd.tile.s32 @!p0 $0x1;
	_ =	shalt  }
.Lfunc_end2:
_tile_overlayer_lowered:
.L_overlay_start_2:
0x6d: {  	(tag) =	ssettag $0x2  }
0x6e: {  	s0 =	rddreg [dreg:$0x0];
	s2 =	stileid.u32  }
0x6f: {  	s1 =	rddreg [dreg:$0x1];
	p0 =	sne.s32 s2, $0x0  }
0x70: {  	s3 =	rddreg [dreg:$0x2];
	[bflag:$0x3] =	sbarrier.arrive $0xFFFF;
	s2 =	simm.s32 @!p0 $0x1C01  }
0x71: {  	[timem:s3], [sflag:s2] =	dma.local @!p0 [hbm:s0], s1  }
0x72: {  	s0 =	simm.s32 @!p0 $0x1  }
0x73: {  	_ =	swait.ge @!p0 [sflag:s0], s1  }
0x74: {  	s1 =	ssub.s32 @!p0 $0x0, s1;
	[sflag:s0] =	ssyncset.done @!p0 $0x0  }
0x75: {  	[sflag:s0] =	ssyncadd.s32 @!p0 s1  }
0x76: {  	[bflag:$0x3] =	sbarrier.arrive $0xFFFF  }
0x77: {  	_ =	shalt  }

// kernel: gather_offload_async_start.3
scs
__scs_entry_jumppad:
0x0: {  	(pc) =	sbr.rel $0x88, $3  }
0x1: {  	(tag) =	ssettag $0x0;
	lr =	simm.s32 $0x1  }
0x2: {  	[smem:$0x3F71] =	sst lr;
	_ =	strace $0xD0000000  }
0x3: {  	_ = 	snop  }
0x4: {  	_ = 	snop  }
0x5: {  	_ = 	snop  }
0x6: {  	_ = 	snop  }
0x7: {  	_ = 	snop  }
__scs_overlays_trampoline_lowered:
0x8: {  	[smem:$0x3F80] =	sst s0  }
0x9: {  	[smem:$0x3F81] =	sst s1  }
0xa: {  	[smem:$0x3F82] =	sst s2  }
0xb: {  	[smem:$0x3F83] =	sst s3  }
0xc: {  	[smem:$0x3F84] =	sst s4  }
0xd: {  	[smem:$0x3F85] =	sst s5  }
0xe: {  	[smem:$0x3F86] =	sst s6  }
0xf: {  	[smem:$0x3F87] =	sst s7  }
0x10: {  	[smem:$0x3F88] =	sst s8  }
0x11: {  	[smem:$0x3F89] =	sst s9;
	s0 =	simm.s32 @!p0 $0x0  }
0x12: {  	s1 =	sld [smem:$0x3F6F];
	s0 =	simm.s32 @p0 $0x1  }
0x13: {  	[smem:$0x3F8A] =	sst s0;
	s0 =	simm.s32 @!p1 $0x0  }
0x14: {  	s2 =	sld [smem:$0x3F6E];
	s0 =	simm.s32 @p1 $0x1  }
0x15: {  	[smem:$0x3F8B] =	sst s0;
	s0 =	simm.s32 @!p2 $0x0  }
0x16: {  	s3 =	sld [smem:$0x3FDB];
	s0 =	simm.s32 @p2 $0x1  }
0x17: {  	s4 =	simm.s32 $0x1BF5;
	[smem:$0x3F8D] =	sst s0  }
0x18: {  	s0 =	sld [smem:$0x3F70];
	_ =	swait.ge [sflag:s4], $0x0  }
0x19: {  	s7 =	sld [smem:$0x3F71]  }
0x1a: {  	s8 =	sadd.s32 $0xFFFFE003, lr  }
0x1b: {  	s9 =	sadd.s32 $0xFFFFFEF7, lr;
	s5 =	simm.s32 $0xFFFFFFFF;
	p2 =	slt.u32 s8, $0xFFFFF086  }
0x1c: {  	p1 =	slt.u32 s9, $0xF7A;
	s5 =	simm.s32 @!p2 $0x0  }
0x1d: {  	s5 =	simm.s32 @p1 $0x1;
	p0 =	seq.s32 s7, s2  }
0x1e: {  	s7 =	smul.u32 @!p0 $0xF7A, s2;
	p2 =	seq.s32 @!p0 s5, $0x0  }
0x1f: {  	s9 =	smul.u32 $0xF7A, s1;
	s8 =	simm.s32 @!p0 $0x1BF5;
	p2 =	por !p2, p0  }
0x20: {  	[sflag:s8] =	ssyncset.s32 @!p0 $0xFFFFF086;
	s6 =	sadd.s32 @!p0 s3, s7;
	s7 =	simm.s32 @!p0 $0x108  }
0x21: {  	s3 =	sadd.s32 s3, s9;
	s6 =	sadd.s32 @!p0 $0x88, s6;
	s7 =	simm.s32 @p2 $0x1082  }
0x22: {  	[simem:s7], [sflag:s8] =	dma.local @!p0 [hbm:s6], $0xF7A  }
0x23: {  	s9 =	sor.u32 $0xD0000000, s2;
	s6 =	simm.s32 $0x108;
	_ =	swait.ge @!p0 [sflag:s8], $0x0  }
0x24: {  	s3 =	sadd.s32 $0x88, s3;
	s6 =	simm.s32 @!p1 $0x1082;
	[sflag:s4] =	ssyncset.s32 $0xFFFFF086  }
0x25: {  	[simem:s6], [sflag:s4] =	dma.local [hbm:s3], $0xF7A  }
0x26: {  	[smem:$0x3F71] =	sst s1;
	(tag) =	ssettag s2;
	_ =	strace s9  }
0x27: {  	s1 =	sld [smem:$0x3F81]  }
0x28: {  	s2 =	sld [smem:$0x3F82]  }
0x29: {  	s4 =	sld [smem:$0x3F84]  }
0x2a: {  	p0 =	seq.s32 s5, $0x0;
	s5 =	sld [smem:$0x3F85]  }
0x2b: {  	s6 =	sld [smem:$0x3F86]  }
0x2c: {  	s7 =	sld [smem:$0x3F87]  }
0x2d: {  	s3 =	simm.s32 $0x108;
	s8 =	sld [smem:$0x3F88]  }
0x2e: {  	s3 =	simm.s32 @!p0 $0x1082;
	s9 =	sld [smem:$0x3F89]  }
0x2f: {  	lr =	sadd.s32 s0, s3;
	s0 =	sld [smem:$0x3F80]  }
0x30: {  	s3 =	sld [smem:$0x3F83]  }
0x31: {  	[smem:$0x3F8C] =	sst s10  }
0x32: {  	s10 =	sld [smem:$0x3F8A];
	_ =	sdelay $0x3  }
0x33: {  	p0 =	seq.s32 s10, $0x1;
	s10 =	sld [smem:$0x3F8C];
	_ =	sdelay $0x3  }
0x34: {  	[smem:$0x3F8C] =	sst s10  }
0x35: {  	s10 =	sld [smem:$0x3F8B];
	_ =	sdelay $0x3  }
0x36: {  	p1 =	seq.s32 s10, $0x1;
	s10 =	sld [smem:$0x3F8C];
	_ =	sdelay $0x3  }
0x37: {  	[smem:$0x3F8C] =	sst s10  }
0x38: {  	s10 =	sld [smem:$0x3F8D]  }
0x39: {  	_ = 	snop;
	(pc) =	sbr.ind lr, $3  }
0x3a: {  	_ = 	snop  }
0x3b: {  	_ = 	snop  }
0x3c: {  	p2 =	seq.s32 s10, $0x1;
	s10 =	sld [smem:$0x3F8C]  }
0x3d: {  	_ =	shalt  }
0x3e: {  	_ =	shalt  }
0x3f: {  	_ =	shalt  }
0x40: {  	_ =	shalt  }
0x41: {  	_ =	shalt  }
0x42: {  	_ =	shalt  }
0x43: {  	_ =	shalt  }
0x44: {  	_ =	shalt  }
0x45: {  	_ =	shalt  }
0x46: {  	_ =	shalt  }
0x47: {  	_ =	shalt  }
0x48: {  	_ =	shalt  }
0x49: {  	_ =	shalt  }
0x4a: {  	_ =	shalt  }
0x4b: {  	_ =	shalt  }
0x4c: {  	_ =	shalt  }
0x4d: {  	_ =	shalt  }
0x4e: {  	_ =	shalt  }
0x4f: {  	_ =	shalt  }
0x50: {  	_ =	shalt  }
0x51: {  	_ =	shalt  }
0x52: {  	_ =	shalt  }
0x53: {  	_ =	shalt  }
0x54: {  	_ =	shalt  }
0x55: {  	_ =	shalt  }
0x56: {  	_ =	shalt  }
0x57: {  	_ =	shalt  }
0x58: {  	_ =	shalt  }
0x59: {  	_ =	shalt  }
0x5a: {  	_ =	shalt  }
0x5b: {  	_ =	shalt  }
0x5c: {  	_ =	shalt  }
0x5d: {  	_ =	shalt  }
0x5e: {  	_ =	shalt  }
0x5f: {  	_ =	shalt  }
0x60: {  	_ =	shalt  }
0x61: {  	_ =	shalt  }
0x62: {  	_ =	shalt  }
0x63: {  	_ =	shalt  }
0x64: {  	_ =	shalt  }
0x65: {  	_ =	shalt  }
0x66: {  	_ =	shalt  }
0x67: {  	_ =	shalt  }
0x68: {  	_ =	shalt  }
0x69: {  	_ =	shalt  }
0x6a: {  	_ =	shalt  }
0x6b: {  	_ =	shalt  }
0x6c: {  	_ =	shalt  }
0x6d: {  	_ =	shalt  }
0x6e: {  	_ =	shalt  }
0x6f: {  	_ =	shalt  }
0x70: {  	_ =	shalt  }
0x71: {  	_ =	shalt  }
0x72: {  	_ =	shalt  }
0x73: {  	_ =	shalt  }
0x74: {  	_ =	shalt  }
0x75: {  	_ =	shalt  }
0x76: {  	_ =	shalt  }
0x77: {  	_ =	shalt  }
0x78: {  	_ =	shalt  }
0x79: {  	_ =	shalt  }
0x7a: {  	_ =	shalt  }
0x7b: {  	_ =	shalt  }
0x7c: {  	_ =	shalt  }
0x7d: {  	_ =	shalt  }
0x7e: {  	_ =	shalt  }
0x7f: {  	_ =	shalt  }
0x80: {  	_ =	shalt  }
0x81: {  	_ =	shalt  }
0x82: {  	_ =	shalt  }
0x83: {  	_ =	shalt  }
0x84: {  	_ =	shalt  }
0x85: {  	_ =	shalt  }
0x86: {  	_ =	shalt  }
0x87: {  	_ =	shalt  }
.Lfunc_end0:
.L_simem_size_0:
called_computation.7_lowered:
.L_overlay_start_0:
0x88: {  	s2 =	sld [smem:$0x3FD9]  }
0x89: {  	s3 =	sld [smem:$0x3FFE];
	_ =	sdelay $0x1  }
0x8a: {  	s1 =	srdreg.scid  }
0x8b: {  	s0 =	sand.u32 $0x1, s1  }
0x8c: {  	s15 =	sshll.u32 s0, $0xA;
	s2 =	sadd.s32 s3, s2  }
0x8d: {  	s2 =	sadd.s32 s2, s15  }
0x8e: {  	[smem:$0x3F98] =	sst s2  }
0x8f: {  	_ = 	snop  }
0x90: {  	s2 =	sld [smem:$0x3FD0];
	_ =	sdelay $0x2  }
0x91: {  	s16 =	simm.s32 $0xD;
	s4 =	simm.s32 $0x10  }
0x92: {  	[smem:s4], [sflag:s16] =	dma.local [hbm:s2], $0x1  }
0x93: {  	_ =	swait.eq [sflag:s16], $0x1  }
0x94: {  	[sflag:s16] =	ssyncset.done $0x0  }
0x95: {  	[sflag:s16] =	ssyncadd.s32 $0xFFFFFFFF  }
0x96: {  	s17 =	sld [smem:$0x10];
	(tm) =	ssettm $0x1  }
0x97: {  	s18 =	sld [smem:$0x3FFB];
	_ =	sdelay $0x3  }
0x98: {  	_ =	strace s18  }
0x99: {  	s2 =	sld [smem:$0x3FFC];
	_ =	sdelay $0x3  }
0x9a: {  	_ =	strace s2  }
0x9b: {  	s2 =	sld [smem:$0x3FFD];
	_ =	sdelay $0x3  }
0x9c: {  	_ =	strace s2  }
0x9d: {  	_ =	strace $0x8FFFFFFF  }
0x9e: {  	s19 =	sld [smem:$0x3FDB];
	_ =	sdelay $0x1  }
0x9f: {  	s20 =	simm.s32 $_scs_section_size  }
0xa0: {  	s5 =	simm.s32 $_size__tile_overlayer_lowered;
	s6 =	simm.s32 $_tile_overlayer_lowered  }
0xa1: {  	s7 =	simm.s32 $0x1BFF;
	s21 =	sshll.u32 s6, $0x1;
	s4 =	sadd.s32 s20, s19  }
0xa2: {  	s22 =	simm.s32 $0x0;
	s5 =	sshll.u32 s5, $0x1;
	s6 =	sadd.s32 s21, s4  }
0xa3: {  	[timem:s22], [sflag:s7] =	dma.local [hbm:s6], s5  }
0xa4: {  	_ =	swait.ge [sflag:s7], s5  }
0xa5: {  	s5 =	ssub.s32 $0x0, s5;
	[sflag:s7] =	ssyncset.done $0x0  }
0xa6: {  	[sflag:s7] =	ssyncadd.s32 s5;
	_ =	sdelay $0x1  }
0xa7: {  	s23 =	simm.s32 $0x1B8B  }
0xa8: {  	_ =	swait.ge [sflag:s23], $0x1  }
0xa9: {  	[sflag:s23] =	ssyncset.done $0x0  }
0xaa: {  	[sflag:s23] =	ssyncadd.s32 $0xFFFFFFFF  }
0xab: {  	s5 =	sld [smem:$0x0]  }
0xac: {  	s6 =	sand.u32 $0xFFFFFFFE, s1  }
0xad: {  	p0 =	sne.s32 s1, s6  }
0xae: {  	s6 =	sshll.u32 @p0 s6, $0xE  }
0xaf: {  	s6 =	sadd.s32 @p0 $0x11B8D, s6;
	s7 =	sshll.u32 @p0 s5, $0x11  }
0xb0: {  	s6 =	sor.u32 @p0 s7, s6  }
0xb1: {  	[sflag:s6] =	ssyncadd.remote.s32 @p0 $0x1;
	_ =	sdelay $0x1  }
0xb2: {  	s6 =	simm.s32 @p0 $0x1B8D  }
0xb3: {  	_ =	swait.eq @p0 [sflag:s6], $0x1  }
0xb4: {  	[sflag:s6] =	ssyncadd.s32 @p0 $0xFFFFFFFF  }
0xb5: {  	s7 =	sshll.u32 @!p0 s1, $0xE  }
0xb6: {  	s7 =	sor.u32 @!p0 $0x4000, s7;
	s6 =	simm.s32 @!p0 $0x1B8D  }
0xb7: {  	s5 =	sshll.u32 @!p0 s5, $0x11;
	s7 =	sadd.s32 @!p0 $0x11B8D, s7;
	_ =	swait.eq @!p0 [sflag:s6], $0x1  }
0xb8: {  	s5 =	sor.u32 @!p0 s5, s7;
	[sflag:s6] =	ssyncadd.s32 @!p0 $0xFFFFFFFF  }
0xb9: {  	s25 =	simm.s32 $0x1B8E;
	s24 =	sld [smem:$0x3FFE];
	[sflag:s5] =	ssyncadd.remote.s32 @!p0 $0x1  }
0xba: {  	s26 =	simm.s32 $execute0_lowered;
	[smem:$0x3FD2] =	sst s25  }
0xbb: {  	s6 =	sshll.u32 s26, $0x1;
	_ =	strace $0x8000004F;
	[dreg:$0x1] =	wrdreg $0xFFFFFFFF  }
0xbc: {  	s28 =	simm.s32 $_size_execute0_lowered;
	s4 =	sadd.s32 s4, s6;
	[dreg:$0x0] =	wrdreg $0x0  }
0xbd: {  	s6 =	sshll.u32 s28, $0x1;
	[dreg:$0x2] =	wrdreg s4  }
0xbe: {  	[dreg:$0x3] =	wrdreg s6  }
0xbf: {  	[dreg:$0x4] =	wrdreg $0xC0  }
0xc0: {  	_ =	task [dreg:s22], $0x5FFFF  }
0xc1: {  	[dreg:$0x1] =	wrdreg $0xFFFFFFFF  }
0xc2: {  	[dreg:$0x0] =	wrdreg $0x60  }
0xc3: {  	[dreg:$0x2] =	wrdreg s24  }
0xc4: {  	[dreg:$0x3] =	wrdreg s17  }
0xc5: {  	[dreg:$0x4] =	wrdreg $0xC  }
0xc6: {  	_ =	task.clear_ibuf [dreg:s22], $0x5FFFF;
	_ =	strace $0x9000004F  }
0xc7: {  	s29 =	simm.s32 $0xC;
	_ =	strace $0x80000051  }
0xc8: {  	_ =	swait.ge [sflag:s29], $0x1  }
0xc9: {  	[sflag:s29] =	ssyncadd.s32 $0xFFFFFFFF  }
0xca: {  	_ =	strace $0x90000051  }
0xcb: {  	_ =	sfence  }
0xcc: {  	s30 =	sld [smem:$0x0];
	_ =	sdelay $0x2  }
0xcd: {  	s31 =	sshll.u32 s1, $0xD;
	s1 =	sshrl.u32 s1, $0x2  }
0xce: {  	s4 =	sand.u32 $0x4000, s31;
	s1 =	sadd.s32 s1, s30  }
0xcf: {  	s0 =	sor.u32 s4, s0;
	s1 =	sshll.u32 s1, $0x11  }
0xd0: {  	s0 =	sor.u32 s1, s0  }
0xd1: {  	s0 =	sadd.s32 $0x8F2B, s0  }
0xd2: {  	[sflag:s0] =	ssyncadd.remote.s32 $0x1  }
0xd3: {  	_ =	sfence.sel $0xFFFF  }
0xd4: {  	[dreg:$0x0] =	wrdreg $0xFFFFFFFF;
	(pc) =	sbr.abs _section_cstart, $3  }
0xd5: {  	[dreg:$0x1] =	wrdreg $0xFFFFFFFF  }
0xd6: {  	_ =	task.clear_ibuf [dreg:s22], $0x2FFFF;
	_ =	strace $0x9FFFFFFF  }
0xd7: {  	(tm) =	ssettm $0x7FFFFFFF  }
tec
execute0_lowered:
.L_overlay_start_1:
0x0: {  	(tag) =	ssettag $0x1  }
0x1: {  	s0 =	srdreg.scid  }
0x2: {  	s1 =	sshll.u32 s0, $0x4  }
0x3: {  	s0 =	stileid.u32;
	s1 =	sand.u32 $0x10, s1  }
0x4: {  	s2 =	sor.u32 s0, s1  }
0x5: {  	s3 =	smin.u32 s2, $0x10  }
0x6: {  	s1 =	sshrl.u32 s1, $0x4;
	s2 =	sadd.s32 s2, s3  }
0x7: {  	s1 =	ssub.s32 s2, s1  }
0x8: {  	s1 =	smul.u32 $0x38, s1;
	_ =	sdelay $0x1  }
0x9: {  	s2 =	smul.u32 $0x38, s2;
	s1 =	sadd.s32 $0x70, s1  }
0xa: {  	s3 =	smin.u32 s1, $0xA80  }
0xb: {  	s7 =	ssub.s32 s3, s2  }
0xc: {  	p0 =	sgt.s32 s7, $0x0  }
0xd: {  	s7 =	simm.s32 @!p0 $0x0  }
0xe: {  	s31 =	sand.u32 $0xFFF8, s7  }
0xf: {  	s1 =	sshrl.u32 s31, $0x3  }
0x10: {  	s9 =	rddreg [dreg:$0x0];
	s1 =	smul.u32 $0x2493, s1  }
0x11: {  	s4 =	rddreg [dreg:$0x1];
	s6 =	simm.s32 $0x1  }
0x12: {  	s11 =	simm.s32 $0x3;
	s13 =	simm.s32 $0x0;
	s8 =	sshrl.u32 s1, $0x10  }
0x13: {  	s12 =	simm.s32 $0x0;
	s5 =	sadd.s32 $0x8400, s9;
	s10 =	smul.u32 $0x38, s8  }
.Ltmp0:
0x14: {  	s9 =	sadd.s32 $0x87600, s9;
	s1 =	rddreg [dreg:$0x2];
	(pc) =	sbr.rel .LBB2_1-.Ltmp0, $4  }
0x15: {  	_ =	strace $0x80000050;
	p0 =	sne.s32 s7, s10;
	s10 =	simm.s32 $0x1  }
0x16: {  	[sflag:s6] =	ssyncpa.u1 $0x0;
	s7 =	simm.s32 $0x2;
	s10 =	simm.s32 @!p0 $0x0  }
0x17: {  	[sflag:s7] =	ssyncpa.u1 $0x0;
	p0 =	por $0x0, $0x0;
	s8 =	sadd.s32 s8, s10  }
0x18: {  	vm0 =	vmmov $0xff;
	vm1 =	vcmask $0x3F20;
	[sflag:s11] =	ssyncpa.u1 $0x0;
	s11 =	smov.u32 s2;
	s10 =	sadd.s32 $0x1, s8  }
.LBB2_10:
0x19: {  	[hbm:s17] =	stream.linear.scatter [tilespmem:s14], [sflag:$0x3], $0x800, $0x38;
	[tilespmem:$0x7070] =	vst v63  }
.LBB2_11:
0x1a: {  	s13 =	sadd.s32 $0x38, s11  }
0x1b: {  	s15 =	smov.u32 s2;
	p2 =	slt.s32 s13, s3  }
0x1c: {  	s15 =	smov.u32 @p2 s13;
	p2 =	sne.s32 s12, s10  }
.Ltmp1:
0x1d: {  	p1 =	slt.u32 s12, $0x2;
	(pc) =	sbr.rel @!p2 .LBB2_12-.Ltmp1, $4  }
0x1e: {  	s14 =	simm.s32 @!p1 $0x3  }
0x1f: {  	s16 =	sadd.s32 $0x1, s12;
	_ =	swait.ge @!p1 [sflag:s14], $0x3800  }
0x20: {  	p0 =	por !p0, !p0;
	s13 =	smov.u32 s11;
	[sflag:s14] =	ssyncset.done @!p1 $0x0  }
0x21: {  	s12 =	smov.u32 s16;
	s11 =	smov.u32 s15;
	[sflag:s14] =	ssyncadd.s32 @!p1 $0xFFFFC800  }
.LBB2_1:
0x22: {  	p1 =	sge.u32 s12, s8  }
0x23: {  	s14 =	sxor.u32 @!p1 $0xFFFFFFFF, s12  }
0x24: {  	s14 =	sand.u32 @!p1 $0x1, s14  }
0x25: {  	s14 =	smul.u32 @!p1 $0xE0, s14  }
0x26: {  	s31 =	sadd.s32 $0xFFFFFFFF, s12;
	s15 =	sshrl.u32 @!p1 s11, $0x3  }
0x27: {  	s16 =	sand.u32 @!p1 $0x7, s11;
	s15 =	sadd.s32 @!p1 s4, s15;
	s14 =	sshrl.u32 @!p1 s14, $0x2  }
0x28: {  	[tilespmem:s14], [sflag:$0x2] =	stream.linear.gather @!p1 [hbm4b:s15+s16], $0x38, $0x38;
	[tilespmem:$0x7070] =	vst v63  }
0x29: {  	p1 =	sge.u32 s31, s8  }
.Ltmp2:
0x2a: {  	_ = 	snop;
	(pc) =	sbr.rel @p1 .LBB2_11-.Ltmp2, $1  }
0x2b: {  	_ =	sdelay $0x3  }
0x2c: {  	s15 =	sand.u32 $0x1, s12  }
0x2d: {  	s14 =	simm.s32 $0x1;
	s16 =	smul.u32 $0xE000, s15  }
0x2e: {  	_ =	swait.ge [sflag:s7], $0x38;
	s14 =	simm.s32 @!p0 $0x0;
	s15 =	smul.u32 $0xE0, s15  }
0x2f: {  	[sflag:s7] =	ssyncset.done $0x0;
	s14 =	smul.u32 $0xE000, s14  }
0x30: {  	[sflag:s7] =	ssyncadd.s32 $0xFFFFFFC8  }
0x31: {  	s17 =	sshrl.u32 s16, $0x2;
	s16 =	sshrl.u32 s15, $0x2;
	s14 =	sshrl.u32 s14, $0x2  }
0x32: {  	s15 =	sor.u32 $0x70, s17;
	s17 =	simm.s32 $0x0;
	s14 =	sor.u32 $0x70, s14  }
.LBB2_3:
0x33: {  	s18 =	sshll.u32 s17, $0x4  }
0x34: {  	s18 =	sand.u32 $0x3FFFFFF0, s18  }
0x35: {  	s18 =	sadd.s32 s18, s16  }
0x36: {  	v0 =	vld.msk [tilespmem:s18+$0x0 ss:$0x1], $0xffff;
	_ =	sdelay $0x4  }
0x37: {  	vm2 =	veq.s32 v0, $0x80000000  }
0x38: {  	v1 =	vshrl.u32 v0, $0xA;
	v2 =	vshll.u32 v0, $0xE;
	v0 =	vshll.u32 v0, $0x4  }
0x39: {  	v1 =	vand.u32 $0x7, v1;
	v2 =	vand.u32 $0x1FC000, v2;
	v0 =	vand.u32 $0x3800, v0  }
0x3a: {  	v1 =	vsel vm2, $0xFFFFFFFF, v1;
	v0 =	vor.u32 v0, v2  }
0x3b: {  	v0 =	vsel vm2, $0xFFFFB800, v0;
	v2 =	vand.u32 $0xFFFFF800, v1;
	v1 =	vshll.u32 v1, $0x7  }
0x3c: {  	s31 =	sshll.u32 s17, $0xC;
	v0 =	vadd.s32 v2, v0;
	v1 =	vand.u32 $0x380, v1  }
0x3d: {  	s18 =	sand.u32 $0x3FFFF000, s31;
	v0 =	vor.u32 v1, v0  }
0x3e: {  	p1 =	por $0x1, $0x1;
	s19 =	simm.s32 $0x0;
	s18 =	sadd.s32 s18, s15;
	v0 =	vshrl.u32 v0, $0x3  }
.LBB2_4:
0x3f: {  	_ =	sdelay $0x1  }
0x40: {  	s19 =	sshra.s32 s19, $0x2;
	p2 =	por p1, p1  }
.Ltmp3:
0x41: {  	s19 =	sadd.s32 s19, s18;
	(pc) =	sbr.rel @p2 .LBB2_4-.Ltmp3, $4  }
0x42: {  	[tilespmem:s19], [sflag:$0x1] =	stream.indirect_vreg.gather [hbm:s5], $0x80, v0, vm0, $0x38;
	[tilespmem:$0x7070] =	vst v63  }
0x43: {  	s19 =	sadd.s32 $0x800, s19  }
0x44: {  	[tilespmem:s19], [sflag:$0x1] =	stream.indirect_vreg.gather [hbm:s5], $0x80, v0, vm1, $0x38;
	[tilespmem:$0x7070] =	vst v63  }
0x45: {  	p1 =	por $0x0, $0x0;
	v0 =	vadd.s32 $0x80, v0;
	s19 =	simm.s32 $0x1000  }
0x46: {  	s17 =	sadd.s32 $0x1, s17  }
0x47: {  	p1 =	sne.s32 s17, $0x3  }
.Ltmp4:
0x48: {  	_ = 	snop;
	(pc) =	sbr.rel @p1 .LBB2_3-.Ltmp4, $1  }
0x49: {  	_ =	sdelay $0x3  }
0x4a: {  	v0 =	vld.msk [tilespmem:s16+$0x30 ss:$0x1], $0xff;
	_ =	sdelay $0x4  }
0x4b: {  	vm2 =	veq.s32 v0, $0x80000000  }
0x4c: {  	v1 =	vshrl.u32 v0, $0xA;
	v2 =	vshll.u32 v0, $0xE;
	v0 =	vshll.u32 v0, $0x4  }
0x4d: {  	v1 =	vand.u32 $0x7, v1;
	v2 =	vand.u32 $0x1FC000, v2;
	v0 =	vand.u32 $0x3800, v0  }
0x4e: {  	v1 =	vsel vm2, $0xFFFFFFFF, v1;
	v0 =	vor.u32 v0, v2  }
0x4f: {  	v0 =	vsel vm2, $0xFFFFB800, v0;
	v2 =	vand.u32 $0xFFFFF800, v1;
	v1 =	vshll.u32 v1, $0x7  }
0x50: {  	v0 =	vadd.s32 v2, v0;
	v1 =	vand.u32 $0x380, v1  }
0x51: {  	v0 =	vor.u32 v1, v0  }
0x52: {  	s16 =	simm.s32 $0x0;
	p1 =	por $0x1, $0x1;
	v0 =	vshrl.u32 v0, $0x3  }
.LBB2_7:
0x53: {  	p2 =	por p1, p1  }
.Ltmp5:
0x54: {  	s16 =	sshra.s32 s16, $0x2;
	(pc) =	sbr.rel @p2 .LBB2_7-.Ltmp5, $4  }
0x55: {  	s16 =	sadd.s32 s16, s15  }
0x56: {  	s16 =	sadd.s32 $0x3000, s16  }
0x57: {  	[tilespmem:s16], [sflag:$0x1] =	stream.indirect_vreg.gather [hbm:s5], $0x80, v0, vm0, $0x38;
	[tilespmem:$0x7070] =	vst v63  }
0x58: {  	p1 =	por $0x0, $0x0;
	v0 =	vadd.s32 $0x80, v0;
	s16 =	simm.s32 $0x1000  }
0x59: {  	s15 =	sshll.u32 s13, $0x5  }
0x5a: {  	s31 =	sshll.u32 s13, $0x4;
	s15 =	sand.u32 $0xFFFFFF00, s15  }
0x5b: {  	_ =	swait.ge [sflag:s6], $0x3800;
	s13 =	sand.u32 $0x70, s31;
	s15 =	sadd.s32 s15, s9  }
0x5c: {  	s16 =	sadd.s32 $0x800, s14;
	[sflag:s6] =	ssyncset.done $0x0;
	s13 =	sadd.s32 s13, s15  }
0x5d: {  	[sflag:s6] =	ssyncadd.s32 $0xFFFFC800;
	s15 =	simm.s32 $0x100;
	s17 =	sadd.s32 $0x0, s13  }
.LBB2_9:
0x5e: {  	[hbm:s17] =	stream.linear.scatter [tilespmem:s14], [sflag:$0x3], $0x800, $0x38;
	[tilespmem:$0x7070] =	vst v63  }
0x5f: {  	s17 =	smov.u32 s15;
	s14 =	smov.u32 s16;
	p1 =	sne.s32 s15, $0x600  }
.Ltmp6:
0x60: {  	s15 =	sadd.s32 $0x100, s15;
	(pc) =	sbr.rel @p1 .LBB2_9-.Ltmp6, $2  }
0x61: {  	_ =	sdelay $0x2  }
0x62: {  	s16 =	sadd.s32 $0x800, s16;
	s17 =	sadd.s32 s17, s13  }
.Ltmp7:
0x63: {  	_ = 	snop;
	(pc) =	sbr.rel .LBB2_10-.Ltmp7, $1  }
0x64: {  	_ =	sdelay $0x3  }
.LBB2_12:
0x65: {  	_ =	sfence.sel $0x180000  }
0x66: {  	s2 =	simm.s32 $0x2;
	[bflag:$0x0] =	sbarrier.arrive $0xFFFF  }
0x67: {  	s30 =	simm.s32 $0x3;
	[sflag:s2] =	ssyncpa.u1 $0x1  }
0x68: {  	s31 =	simm.s32 $0x1;
	[sflag:s30] =	ssyncpa.u1 $0x1  }
0x69: {  	[sflag:s31] =	ssyncpa.u1 $0x1  }
0x6a: {  	p0 =	sne.s32 s0, $0x0;
	_ =	strace $0x90000050  }
0x6b: {  	s0 =	sadd.s32 @!p0 $0x100000, s1;
	[bflag:$0x2] =	sbarrier.arrive $0xFFFF  }
0x6c: {  	[sflag:s0] =	ssyncadd.tile.s32 @!p0 $0x1;
	_ =	shalt  }
.Lfunc_end2:
_tile_overlayer_lowered:
.L_overlay_start_2:
0x6d: {  	(tag) =	ssettag $0x2  }
0x6e: {  	s0 =	rddreg [dreg:$0x0];
	s2 =	stileid.u32  }
0x6f: {  	s1 =	rddreg [dreg:$0x1];
	p0 =	sne.s32 s2, $0x0  }
0x70: {  	s3 =	rddreg [dreg:$0x2];
	[bflag:$0x3] =	sbarrier.arrive $0xFFFF;
	s2 =	simm.s32 @!p0 $0x1C01  }
0x71: {  	[timem:s3], [sflag:s2] =	dma.local @!p0 [hbm:s0], s1  }
0x72: {  	s0 =	simm.s32 @!p0 $0x1  }
0x73: {  	_ =	swait.ge @!p0 [sflag:s0], s1  }
0x74: {  	s1 =	ssub.s32 @!p0 $0x0, s1;
	[sflag:s0] =	ssyncset.done @!p0 $0x0  }
0x75: {  	[sflag:s0] =	ssyncadd.s32 @!p0 s1  }
0x76: {  	[bflag:$0x3] =	sbarrier.arrive $0xFFFF  }
0x77: {  	_ =	shalt  }

// kernel: gather_offload_async_start
scs
__scs_entry_jumppad:
0x0: {  	(pc) =	sbr.rel $0x88, $3  }
0x1: {  	(tag) =	ssettag $0x0;
	lr =	simm.s32 $0x1  }
0x2: {  	[smem:$0x3F71] =	sst lr;
	_ =	strace $0xD0000000  }
0x3: {  	_ = 	snop  }
0x4: {  	_ = 	snop  }
0x5: {  	_ = 	snop  }
0x6: {  	_ = 	snop  }
0x7: {  	_ = 	snop  }
__scs_overlays_trampoline_lowered:
0x8: {  	[smem:$0x3F80] =	sst s0  }
0x9: {  	[smem:$0x3F81] =	sst s1  }
0xa: {  	[smem:$0x3F82] =	sst s2  }
0xb: {  	[smem:$0x3F83] =	sst s3  }
0xc: {  	[smem:$0x3F84] =	sst s4  }
0xd: {  	[smem:$0x3F85] =	sst s5  }
0xe: {  	[smem:$0x3F86] =	sst s6  }
0xf: {  	[smem:$0x3F87] =	sst s7  }
0x10: {  	[smem:$0x3F88] =	sst s8  }
0x11: {  	[smem:$0x3F89] =	sst s9;
	s0 =	simm.s32 @!p0 $0x0  }
0x12: {  	s1 =	sld [smem:$0x3F6F];
	s0 =	simm.s32 @p0 $0x1  }
0x13: {  	[smem:$0x3F8A] =	sst s0;
	s0 =	simm.s32 @!p1 $0x0  }
0x14: {  	s2 =	sld [smem:$0x3F6E];
	s0 =	simm.s32 @p1 $0x1  }
0x15: {  	[smem:$0x3F8B] =	sst s0;
	s0 =	simm.s32 @!p2 $0x0  }
0x16: {  	s3 =	sld [smem:$0x3FDB];
	s0 =	simm.s32 @p2 $0x1  }
0x17: {  	s4 =	simm.s32 $0x1BF5;
	[smem:$0x3F8D] =	sst s0  }
0x18: {  	s0 =	sld [smem:$0x3F70];
	_ =	swait.ge [sflag:s4], $0x0  }
0x19: {  	s7 =	sld [smem:$0x3F71]  }
0x1a: {  	s8 =	sadd.s32 $0xFFFFE003, lr  }
0x1b: {  	s9 =	sadd.s32 $0xFFFFFEF7, lr;
	s5 =	simm.s32 $0xFFFFFFFF;
	p2 =	slt.u32 s8, $0xFFFFF086  }
0x1c: {  	p1 =	slt.u32 s9, $0xF7A;
	s5 =	simm.s32 @!p2 $0x0  }
0x1d: {  	s5 =	simm.s32 @p1 $0x1;
	p0 =	seq.s32 s7, s2  }
0x1e: {  	s7 =	smul.u32 @!p0 $0xF7A, s2;
	p2 =	seq.s32 @!p0 s5, $0x0  }
0x1f: {  	s9 =	smul.u32 $0xF7A, s1;
	s8 =	simm.s32 @!p0 $0x1BF5;
	p2 =	por !p2, p0  }
0x20: {  	[sflag:s8] =	ssyncset.s32 @!p0 $0xFFFFF086;
	s6 =	sadd.s32 @!p0 s3, s7;
	s7 =	simm.s32 @!p0 $0x108  }
0x21: {  	s3 =	sadd.s32 s3, s9;
	s6 =	sadd.s32 @!p0 $0x88, s6;
	s7 =	simm.s32 @p2 $0x1082  }
0x22: {  	[simem:s7], [sflag:s8] =	dma.local @!p0 [hbm:s6], $0xF7A  }
0x23: {  	s9 =	sor.u32 $0xD0000000, s2;
	s6 =	simm.s32 $0x108;
	_ =	swait.ge @!p0 [sflag:s8], $0x0  }
0x24: {  	s3 =	sadd.s32 $0x88, s3;
	s6 =	simm.s32 @!p1 $0x1082;
	[sflag:s4] =	ssyncset.s32 $0xFFFFF086  }
0x25: {  	[simem:s6], [sflag:s4] =	dma.local [hbm:s3], $0xF7A  }
0x26: {  	[smem:$0x3F71] =	sst s1;
	(tag) =	ssettag s2;
	_ =	strace s9  }
0x27: {  	s1 =	sld [smem:$0x3F81]  }
0x28: {  	s2 =	sld [smem:$0x3F82]  }
0x29: {  	s4 =	sld [smem:$0x3F84]  }
0x2a: {  	p0 =	seq.s32 s5, $0x0;
	s5 =	sld [smem:$0x3F85]  }
0x2b: {  	s6 =	sld [smem:$0x3F86]  }
0x2c: {  	s7 =	sld [smem:$0x3F87]  }
0x2d: {  	s3 =	simm.s32 $0x108;
	s8 =	sld [smem:$0x3F88]  }
0x2e: {  	s3 =	simm.s32 @!p0 $0x1082;
	s9 =	sld [smem:$0x3F89]  }
0x2f: {  	lr =	sadd.s32 s0, s3;
	s0 =	sld [smem:$0x3F80]  }
0x30: {  	s3 =	sld [smem:$0x3F83]  }
0x31: {  	[smem:$0x3F8C] =	sst s10  }
0x32: {  	s10 =	sld [smem:$0x3F8A];
	_ =	sdelay $0x3  }
0x33: {  	p0 =	seq.s32 s10, $0x1;
	s10 =	sld [smem:$0x3F8C];
	_ =	sdelay $0x3  }
0x34: {  	[smem:$0x3F8C] =	sst s10  }
0x35: {  	s10 =	sld [smem:$0x3F8B];
	_ =	sdelay $0x3  }
0x36: {  	p1 =	seq.s32 s10, $0x1;
	s10 =	sld [smem:$0x3F8C];
	_ =	sdelay $0x3  }
0x37: {  	[smem:$0x3F8C] =	sst s10  }
0x38: {  	s10 =	sld [smem:$0x3F8D]  }
0x39: {  	_ = 	snop;
	(pc) =	sbr.ind lr, $3  }
0x3a: {  	_ = 	snop  }
0x3b: {  	_ = 	snop  }
0x3c: {  	p2 =	seq.s32 s10, $0x1;
	s10 =	sld [smem:$0x3F8C]  }
0x3d: {  	_ =	shalt  }
0x3e: {  	_ =	shalt  }
0x3f: {  	_ =	shalt  }
0x40: {  	_ =	shalt  }
0x41: {  	_ =	shalt  }
0x42: {  	_ =	shalt  }
0x43: {  	_ =	shalt  }
0x44: {  	_ =	shalt  }
0x45: {  	_ =	shalt  }
0x46: {  	_ =	shalt  }
0x47: {  	_ =	shalt  }
0x48: {  	_ =	shalt  }
0x49: {  	_ =	shalt  }
0x4a: {  	_ =	shalt  }
0x4b: {  	_ =	shalt  }
0x4c: {  	_ =	shalt  }
0x4d: {  	_ =	shalt  }
0x4e: {  	_ =	shalt  }
0x4f: {  	_ =	shalt  }
0x50: {  	_ =	shalt  }
0x51: {  	_ =	shalt  }
0x52: {  	_ =	shalt  }
0x53: {  	_ =	shalt  }
0x54: {  	_ =	shalt  }
0x55: {  	_ =	shalt  }
0x56: {  	_ =	shalt  }
0x57: {  	_ =	shalt  }
0x58: {  	_ =	shalt  }
0x59: {  	_ =	shalt  }
0x5a: {  	_ =	shalt  }
0x5b: {  	_ =	shalt  }
0x5c: {  	_ =	shalt  }
0x5d: {  	_ =	shalt  }
0x5e: {  	_ =	shalt  }
0x5f: {  	_ =	shalt  }
0x60: {  	_ =	shalt  }
0x61: {  	_ =	shalt  }
0x62: {  	_ =	shalt  }
0x63: {  	_ =	shalt  }
0x64: {  	_ =	shalt  }
0x65: {  	_ =	shalt  }
0x66: {  	_ =	shalt  }
0x67: {  	_ =	shalt  }
0x68: {  	_ =	shalt  }
0x69: {  	_ =	shalt  }
0x6a: {  	_ =	shalt  }
0x6b: {  	_ =	shalt  }
0x6c: {  	_ =	shalt  }
0x6d: {  	_ =	shalt  }
0x6e: {  	_ =	shalt  }
0x6f: {  	_ =	shalt  }
0x70: {  	_ =	shalt  }
0x71: {  	_ =	shalt  }
0x72: {  	_ =	shalt  }
0x73: {  	_ =	shalt  }
0x74: {  	_ =	shalt  }
0x75: {  	_ =	shalt  }
0x76: {  	_ =	shalt  }
0x77: {  	_ =	shalt  }
0x78: {  	_ =	shalt  }
0x79: {  	_ =	shalt  }
0x7a: {  	_ =	shalt  }
0x7b: {  	_ =	shalt  }
0x7c: {  	_ =	shalt  }
0x7d: {  	_ =	shalt  }
0x7e: {  	_ =	shalt  }
0x7f: {  	_ =	shalt  }
0x80: {  	_ =	shalt  }
0x81: {  	_ =	shalt  }
0x82: {  	_ =	shalt  }
0x83: {  	_ =	shalt  }
0x84: {  	_ =	shalt  }
0x85: {  	_ =	shalt  }
0x86: {  	_ =	shalt  }
0x87: {  	_ =	shalt  }
.Lfunc_end0:
.L_simem_size_0:
called_computation.4_lowered:
.L_overlay_start_0:
0x88: {  	s2 =	sld [smem:$0x3FD9]  }
0x89: {  	s3 =	sld [smem:$0x3FFE];
	_ =	sdelay $0x1  }
0x8a: {  	s1 =	srdreg.scid  }
0x8b: {  	s0 =	sand.u32 $0x1, s1  }
0x8c: {  	s16 =	sshll.u32 s0, $0xA;
	s2 =	sadd.s32 s3, s2  }
0x8d: {  	s2 =	sadd.s32 s2, s16  }
0x8e: {  	[smem:$0x3F98] =	sst s2  }
0x8f: {  	_ = 	snop  }
0x90: {  	(tm) =	ssettm $0x1  }
0x91: {  	s17 =	sld [smem:$0x3FFB];
	_ =	sdelay $0x3  }
0x92: {  	_ =	strace s17  }
0x93: {  	s2 =	sld [smem:$0x3FFC];
	_ =	sdelay $0x3  }
0x94: {  	_ =	strace s2  }
0x95: {  	s2 =	sld [smem:$0x3FFD];
	_ =	sdelay $0x3  }
0x96: {  	_ =	strace s2  }
0x97: {  	_ =	strace $0x8FFFFFFF  }
0x98: {  	s18 =	sld [smem:$0x3FDB];
	_ =	sdelay $0x1  }
0x99: {  	s19 =	simm.s32 $_scs_section_size  }
0x9a: {  	s4 =	simm.s32 $_size__tile_overlayer_lowered;
	s5 =	simm.s32 $_tile_overlayer_lowered  }
0x9b: {  	s22 =	simm.s32 $0x1BFF;
	s21 =	sshll.u32 s5, $0x1;
	s2 =	sadd.s32 s19, s18  }
0x9c: {  	s6 =	simm.s32 $0x0;
	s20 =	sshll.u32 s4, $0x1;
	s4 =	sadd.s32 s21, s2  }
0x9d: {  	[timem:s6], [sflag:s22] =	dma.local [hbm:s4], s20  }
0x9e: {  	_ =	swait.ge [sflag:s22], s20  }
0x9f: {  	s3 =	ssub.s32 $0x0, s20;
	[sflag:s22] =	ssyncset.done $0x0  }
0xa0: {  	[sflag:s22] =	ssyncadd.s32 s3;
	_ =	sdelay $0x1  }
0xa1: {  	s23 =	simm.s32 $0x1B8B  }
0xa2: {  	_ =	swait.ge [sflag:s23], $0x1  }
0xa3: {  	[sflag:s23] =	ssyncset.done $0x0  }
0xa4: {  	s25 =	simm.s32 $0x1B8E;
	s24 =	sld [smem:$0x3FFE];
	[sflag:s23] =	ssyncadd.s32 $0xFFFFFFFF  }
0xa5: {  	s26 =	simm.s32 $execute0_lowered;
	[smem:$0x3FD2] =	sst s25  }
0xa6: {  	s4 =	sshll.u32 s26, $0x1;
	_ =	strace $0x80000046;
	[dreg:$0x1] =	wrdreg $0xFFFFFFFF  }
0xa7: {  	s28 =	simm.s32 $_size_execute0_lowered;
	s2 =	sadd.s32 s2, s4;
	[dreg:$0x0] =	wrdreg $0x0  }
0xa8: {  	s4 =	sshll.u32 s28, $0x1;
	[dreg:$0x2] =	wrdreg s2  }
0xa9: {  	[dreg:$0x3] =	wrdreg s4  }
0xaa: {  	[dreg:$0x4] =	wrdreg $0xC0  }
0xab: {  	_ =	task [dreg:s6], $0x5FFFF  }
0xac: {  	[dreg:$0x1] =	wrdreg $0xFFFFFFFF  }
0xad: {  	[dreg:$0x0] =	wrdreg $0x60  }
0xae: {  	[dreg:$0x2] =	wrdreg s24  }
0xaf: {  	[dreg:$0x3] =	wrdreg $0x9  }
0xb0: {  	_ =	task.clear_ibuf [dreg:s6], $0x4FFFF;
	_ =	strace $0x90000046  }
0xb1: {  	s29 =	simm.s32 $0x9;
	_ =	strace $0x80000048  }
0xb2: {  	_ =	swait.ge [sflag:s29], $0x1  }
0xb3: {  	[sflag:s29] =	ssyncadd.s32 $0xFFFFFFFF  }
0xb4: {  	_ =	strace $0x90000048  }
0xb5: {  	_ =	sfence  }
0xb6: {  	s30 =	sld [smem:$0x0];
	_ =	sdelay $0x2  }
0xb7: {  	s31 =	sshll.u32 s1, $0xD;
	s1 =	sshrl.u32 s1, $0x2  }
0xb8: {  	s3 =	sand.u32 $0x4000, s31;
	s1 =	sadd.s32 s1, s30  }
0xb9: {  	s0 =	sor.u32 s3, s0;
	s1 =	sshll.u32 s1, $0x11  }
0xba: {  	s0 =	sor.u32 s1, s0  }
0xbb: {  	s0 =	sadd.s32 $0x8F2B, s0  }
0xbc: {  	[sflag:s0] =	ssyncadd.remote.s32 $0x1  }
0xbd: {  	_ =	sfence.sel $0xFFFF  }
0xbe: {  	[dreg:$0x0] =	wrdreg $0xFFFFFFFF;
	(pc) =	sbr.abs _section_cstart, $3  }
0xbf: {  	[dreg:$0x1] =	wrdreg $0xFFFFFFFF  }
0xc0: {  	_ =	task.clear_ibuf [dreg:s6], $0x2FFFF;
	_ =	strace $0x9FFFFFFF  }
0xc1: {  	(tm) =	ssettm $0x7FFFFFFF  }
tec
execute0_lowered:
.L_overlay_start_1:
0x0: {  	(tag) =	ssettag $0x1  }
0x1: {  	s0 =	srdreg.scid  }
0x2: {  	s1 =	sshll.u32 s0, $0x4  }
0x3: {  	s0 =	stileid.u32;
	s1 =	sand.u32 $0x10, s1  }
0x4: {  	s2 =	sor.u32 s0, s1  }
0x5: {  	s3 =	smin.u32 s2, $0x10  }
0x6: {  	s1 =	sshrl.u32 s1, $0x4;
	s2 =	sadd.s32 s2, s3  }
0x7: {  	s1 =	ssub.s32 s2, s1  }
0x8: {  	s1 =	smul.u32 $0x38, s1;
	_ =	sdelay $0x1  }
0x9: {  	s2 =	smul.u32 $0x38, s2;
	s1 =	sadd.s32 $0x70, s1  }
0xa: {  	s3 =	smin.u32 s1, $0xA80  }
0xb: {  	s7 =	ssub.s32 s3, s2  }
0xc: {  	p0 =	sgt.s32 s7, $0x0  }
0xd: {  	s7 =	simm.s32 @!p0 $0x0  }
0xe: {  	s31 =	sand.u32 $0xFFF8, s7  }
0xf: {  	s1 =	sshrl.u32 s31, $0x3  }
0x10: {  	s1 =	smul.u32 $0x2493, s1  }
0x11: {  	s9 =	rddreg [dreg:$0x0];
	s6 =	simm.s32 $0x1;
	s11 =	simm.s32 $0x3  }
0x12: {  	s13 =	simm.s32 $0x0;
	s12 =	simm.s32 $0x0;
	s8 =	sshrl.u32 s1, $0x10  }
0x13: {  	s4 =	sadd.s32 $0x8400, s9;
	s5 =	sadd.s32 $0x8200, s9;
	s10 =	smul.u32 $0x38, s8  }
.Ltmp0:
0x14: {  	s9 =	sadd.s32 $0x48400, s9;
	s1 =	rddreg [dreg:$0x1];
	(pc) =	sbr.rel .LBB2_1-.Ltmp0, $4  }
0x15: {  	_ =	strace $0x80000047;
	p0 =	sne.s32 s7, s10;
	s10 =	simm.s32 $0x1  }
0x16: {  	[sflag:s6] =	ssyncpa.u1 $0x0;
	s7 =	simm.s32 $0x2;
	s10 =	simm.s32 @!p0 $0x0  }
0x17: {  	[sflag:s7] =	ssyncpa.u1 $0x0;
	p0 =	por $0x0, $0x0;
	s8 =	sadd.s32 s8, s10  }
0x18: {  	vm0 =	vmmov $0xff;
	vm1 =	vcmask $0x3F20;
	[sflag:s11] =	ssyncpa.u1 $0x0;
	s11 =	smov.u32 s2;
	s10 =	sadd.s32 $0x1, s8  }
.LBB2_10:
0x19: {  	[hbm:s17] =	stream.linear.scatter [tilespmem:s14], [sflag:$0x3], $0x800, $0x38;
	[tilespmem:$0x7070] =	vst v63  }
.LBB2_11:
0x1a: {  	s13 =	sadd.s32 $0x38, s11  }
0x1b: {  	s15 =	smov.u32 s2;
	p2 =	slt.s32 s13, s3  }
0x1c: {  	s15 =	smov.u32 @p2 s13;
	p2 =	sne.s32 s12, s10  }
.Ltmp1:
0x1d: {  	p1 =	slt.u32 s12, $0x2;
	(pc) =	sbr.rel @!p2 .LBB2_12-.Ltmp1, $4  }
0x1e: {  	s14 =	simm.s32 @!p1 $0x3  }
0x1f: {  	s16 =	sadd.s32 $0x1, s12;
	_ =	swait.ge @!p1 [sflag:s14], $0x3800  }
0x20: {  	p0 =	por !p0, !p0;
	s13 =	smov.u32 s11;
	[sflag:s14] =	ssyncset.done @!p1 $0x0  }
0x21: {  	s12 =	smov.u32 s16;
	s11 =	smov.u32 s15;
	[sflag:s14] =	ssyncadd.s32 @!p1 $0xFFFFC800  }
.LBB2_1:
0x22: {  	p1 =	sge.u32 s12, s8  }
0x23: {  	s14 =	sxor.u32 @!p1 $0xFFFFFFFF, s12  }
0x24: {  	s14 =	sand.u32 @!p1 $0x1, s14  }
0x25: {  	s14 =	smul.u32 @!p1 $0xE0, s14  }
0x26: {  	s31 =	sadd.s32 $0xFFFFFFFF, s12;
	s15 =	sshrl.u32 @!p1 s11, $0x3  }
0x27: {  	s16 =	sand.u32 @!p1 $0x7, s11;
	s15 =	sadd.s32 @!p1 s5, s15;
	s14 =	sshrl.u32 @!p1 s14, $0x2  }
0x28: {  	[tilespmem:s14], [sflag:$0x2] =	stream.linear.gather @!p1 [hbm4b:s15+s16], $0x38, $0x38;
	[tilespmem:$0x7070] =	vst v63  }
0x29: {  	p1 =	sge.u32 s31, s8  }
.Ltmp2:
0x2a: {  	_ = 	snop;
	(pc) =	sbr.rel @p1 .LBB2_11-.Ltmp2, $1  }
0x2b: {  	_ =	sdelay $0x3  }
0x2c: {  	s15 =	sand.u32 $0x1, s12  }
0x2d: {  	s14 =	simm.s32 $0x1;
	s16 =	smul.u32 $0xE000, s15  }
0x2e: {  	_ =	swait.ge [sflag:s7], $0x38;
	s14 =	simm.s32 @!p0 $0x0;
	s15 =	smul.u32 $0xE0, s15  }
0x2f: {  	[sflag:s7] =	ssyncset.done $0x0;
	s14 =	smul.u32 $0xE000, s14  }
0x30: {  	[sflag:s7] =	ssyncadd.s32 $0xFFFFFFC8  }
0x31: {  	s17 =	sshrl.u32 s16, $0x2;
	s16 =	sshrl.u32 s15, $0x2;
	s14 =	sshrl.u32 s14, $0x2  }
0x32: {  	s15 =	sor.u32 $0x70, s17;
	s17 =	simm.s32 $0x0;
	s14 =	sor.u32 $0x70, s14  }
.LBB2_3:
0x33: {  	s18 =	sshll.u32 s17, $0x4  }
0x34: {  	s18 =	sand.u32 $0x3FFFFFF0, s18  }
0x35: {  	s18 =	sadd.s32 s18, s16  }
0x36: {  	v0 =	vld.msk [tilespmem:s18+$0x0 ss:$0x1], $0xffff;
	_ =	sdelay $0x4  }
0x37: {  	vm2 =	veq.s32 v0, $0x80000000  }
0x38: {  	v1 =	vshrl.u32 v0, $0xA;
	v2 =	vshll.u32 v0, $0xE;
	v0 =	vshll.u32 v0, $0x4  }
0x39: {  	v1 =	vand.u32 $0x7, v1;
	v2 =	vand.u32 $0x1FC000, v2;
	v0 =	vand.u32 $0x3800, v0  }
0x3a: {  	v1 =	vsel vm2, $0xFFFFFFFF, v1;
	v0 =	vor.u32 v0, v2  }
0x3b: {  	v0 =	vsel vm2, $0xFFFFB800, v0;
	v2 =	vand.u32 $0xFFFFF800, v1;
	v1 =	vshll.u32 v1, $0x7  }
0x3c: {  	s31 =	sshll.u32 s17, $0xC;
	v0 =	vadd.s32 v2, v0;
	v1 =	vand.u32 $0x380, v1  }
0x3d: {  	s18 =	sand.u32 $0x3FFFF000, s31;
	v0 =	vor.u32 v1, v0  }
0x3e: {  	p1 =	por $0x1, $0x1;
	s19 =	simm.s32 $0x0;
	s18 =	sadd.s32 s18, s15;
	v0 =	vshrl.u32 v0, $0x3  }
.LBB2_4:
0x3f: {  	_ =	sdelay $0x1  }
0x40: {  	s19 =	sshra.s32 s19, $0x2;
	p2 =	por p1, p1  }
.Ltmp3:
0x41: {  	s19 =	sadd.s32 s19, s18;
	(pc) =	sbr.rel @p2 .LBB2_4-.Ltmp3, $4  }
0x42: {  	[tilespmem:s19], [sflag:$0x1] =	stream.indirect_vreg.gather [hbm:s4], $0x80, v0, vm0, $0x38;
	[tilespmem:$0x7070] =	vst v63  }
0x43: {  	s19 =	sadd.s32 $0x800, s19  }
0x44: {  	[tilespmem:s19], [sflag:$0x1] =	stream.indirect_vreg.gather [hbm:s4], $0x80, v0, vm1, $0x38;
	[tilespmem:$0x7070] =	vst v63  }
0x45: {  	p1 =	por $0x0, $0x0;
	v0 =	vadd.s32 $0x80, v0;
	s19 =	simm.s32 $0x1000  }
0x46: {  	s17 =	sadd.s32 $0x1, s17  }
0x47: {  	p1 =	sne.s32 s17, $0x3  }
.Ltmp4:
0x48: {  	_ = 	snop;
	(pc) =	sbr.rel @p1 .LBB2_3-.Ltmp4, $1  }
0x49: {  	_ =	sdelay $0x3  }
0x4a: {  	v0 =	vld.msk [tilespmem:s16+$0x30 ss:$0x1], $0xff;
	_ =	sdelay $0x4  }
0x4b: {  	vm2 =	veq.s32 v0, $0x80000000  }
0x4c: {  	v1 =	vshrl.u32 v0, $0xA;
	v2 =	vshll.u32 v0, $0xE;
	v0 =	vshll.u32 v0, $0x4  }
0x4d: {  	v1 =	vand.u32 $0x7, v1;
	v2 =	vand.u32 $0x1FC000, v2;
	v0 =	vand.u32 $0x3800, v0  }
0x4e: {  	v1 =	vsel vm2, $0xFFFFFFFF, v1;
	v0 =	vor.u32 v0, v2  }
0x4f: {  	v0 =	vsel vm2, $0xFFFFB800, v0;
	v2 =	vand.u32 $0xFFFFF800, v1;
	v1 =	vshll.u32 v1, $0x7  }
0x50: {  	v0 =	vadd.s32 v2, v0;
	v1 =	vand.u32 $0x380, v1  }
0x51: {  	v0 =	vor.u32 v1, v0  }
0x52: {  	s16 =	simm.s32 $0x0;
	p1 =	por $0x1, $0x1;
	v0 =	vshrl.u32 v0, $0x3  }
.LBB2_7:
0x53: {  	p2 =	por p1, p1  }
.Ltmp5:
0x54: {  	s16 =	sshra.s32 s16, $0x2;
	(pc) =	sbr.rel @p2 .LBB2_7-.Ltmp5, $4  }
0x55: {  	s16 =	sadd.s32 s16, s15  }
0x56: {  	s16 =	sadd.s32 $0x3000, s16  }
0x57: {  	[tilespmem:s16], [sflag:$0x1] =	stream.indirect_vreg.gather [hbm:s4], $0x80, v0, vm0, $0x38;
	[tilespmem:$0x7070] =	vst v63  }
0x58: {  	p1 =	por $0x0, $0x0;
	v0 =	vadd.s32 $0x80, v0;
	s16 =	simm.s32 $0x1000  }
0x59: {  	s15 =	sshll.u32 s13, $0x5  }
0x5a: {  	s31 =	sshll.u32 s13, $0x4;
	s15 =	sand.u32 $0xFFFFFF00, s15  }
0x5b: {  	_ =	swait.ge [sflag:s6], $0x3800;
	s13 =	sand.u32 $0x70, s31;
	s15 =	sadd.s32 s15, s9  }
0x5c: {  	s16 =	sadd.s32 $0x800, s14;
	[sflag:s6] =	ssyncset.done $0x0;
	s13 =	sadd.s32 s13, s15  }
0x5d: {  	[sflag:s6] =	ssyncadd.s32 $0xFFFFC800;
	s15 =	simm.s32 $0x100;
	s17 =	sadd.s32 $0x0, s13  }
.LBB2_9:
0x5e: {  	[hbm:s17] =	stream.linear.scatter [tilespmem:s14], [sflag:$0x3], $0x800, $0x38;
	[tilespmem:$0x7070] =	vst v63  }
0x5f: {  	s17 =	smov.u32 s15;
	s14 =	smov.u32 s16;
	p1 =	sne.s32 s15, $0x600  }
.Ltmp6:
0x60: {  	s15 =	sadd.s32 $0x100, s15;
	(pc) =	sbr.rel @p1 .LBB2_9-.Ltmp6, $2  }
0x61: {  	_ =	sdelay $0x2  }
0x62: {  	s16 =	sadd.s32 $0x800, s16;
	s17 =	sadd.s32 s17, s13  }
.Ltmp7:
0x63: {  	_ = 	snop;
	(pc) =	sbr.rel .LBB2_10-.Ltmp7, $1  }
0x64: {  	_ =	sdelay $0x3  }
.LBB2_12:
0x65: {  	_ =	sfence.sel $0x180000  }
0x66: {  	s2 =	simm.s32 $0x2;
	[bflag:$0x0] =	sbarrier.arrive $0xFFFF  }
0x67: {  	s30 =	simm.s32 $0x3;
	[sflag:s2] =	ssyncpa.u1 $0x1  }
0x68: {  	s31 =	simm.s32 $0x1;
	[sflag:s30] =	ssyncpa.u1 $0x1  }
0x69: {  	[sflag:s31] =	ssyncpa.u1 $0x1  }
0x6a: {  	p0 =	sne.s32 s0, $0x0;
	_ =	strace $0x90000047  }
0x6b: {  	s0 =	sadd.s32 @!p0 $0x100000, s1;
	[bflag:$0x2] =	sbarrier.arrive $0xFFFF  }
0x6c: {  	[sflag:s0] =	ssyncadd.tile.s32 @!p0 $0x1;
	_ =	shalt  }
.Lfunc_end2:
_tile_overlayer_lowered:
.L_overlay_start_2:
0x6d: {  	(tag) =	ssettag $0x2  }
0x6e: {  	s0 =	rddreg [dreg:$0x0];
	s2 =	stileid.u32  }
0x6f: {  	s1 =	rddreg [dreg:$0x1];
	p0 =	sne.s32 s2, $0x0  }
0x70: {  	s3 =	rddreg [dreg:$0x2];
	[bflag:$0x3] =	sbarrier.arrive $0xFFFF;
	s2 =	simm.s32 @!p0 $0x1C01  }
0x71: {  	[timem:s3], [sflag:s2] =	dma.local @!p0 [hbm:s0], s1  }
0x72: {  	s0 =	simm.s32 @!p0 $0x1  }
0x73: {  	_ =	swait.ge @!p0 [sflag:s0], s1  }
0x74: {  	s1 =	ssub.s32 @!p0 $0x0, s1;
	[sflag:s0] =	ssyncset.done @!p0 $0x0  }
0x75: {  	[sflag:s0] =	ssyncadd.s32 @!p0 s1  }
0x76: {  	[bflag:$0x3] =	sbarrier.arrive $0xFFFF  }
0x77: {  	_ =	shalt  }

// kernel: sparse-core-data-format-call.1.cloned.1.call-start
scs
called_computation.1_lowered:
.L_overlay_start_0:
0x0: {  	s2 =	sld [smem:$0x3FD9]  }
0x1: {  	s3 =	sld [smem:$0x3FFE];
	_ =	sdelay $0x1  }
0x2: {  	s1 =	srdreg.scid  }
0x3: {  	s0 =	sand.u32 $0x1, s1  }
0x4: {  	s18 =	sshll.u32 s0, $0xA;
	s2 =	sadd.s32 s3, s2  }
0x5: {  	s2 =	sadd.s32 s2, s18  }
0x6: {  	[smem:$0x3F98] =	sst s2  }
0x7: {  	_ = 	snop  }
0x8: {  	(tm) =	ssettm $0x1  }
0x9: {  	s19 =	sld [smem:$0x3FFB];
	_ =	sdelay $0x3  }
0xa: {  	_ =	strace s19  }
0xb: {  	s2 =	sld [smem:$0x3FFC];
	_ =	sdelay $0x3  }
0xc: {  	_ =	strace s2  }
0xd: {  	s2 =	sld [smem:$0x3FFD];
	_ =	sdelay $0x3  }
0xe: {  	_ =	strace s2  }
0xf: {  	_ =	strace $0x8FFFFFFF  }
0x10: {  	s20 =	sld [smem:$0x3FDB];
	_ =	sdelay $0x1  }
0x11: {  	s21 =	simm.s32 $_scs_section_size  }
0x12: {  	s4 =	simm.s32 $_size__tile_overlayer_lowered;
	s5 =	simm.s32 $_tile_overlayer_lowered  }
0x13: {  	s6 =	simm.s32 $0x1BFF;
	s22 =	sshll.u32 s5, $0x1;
	s3 =	sadd.s32 s21, s20  }
0x14: {  	s23 =	simm.s32 $0x0;
	s4 =	sshll.u32 s4, $0x1;
	s5 =	sadd.s32 s22, s3  }
0x15: {  	[timem:s23], [sflag:s6] =	dma.local [hbm:s5], s4  }
0x16: {  	_ =	swait.ge [sflag:s6], s4  }
0x17: {  	s4 =	ssub.s32 $0x0, s4;
	[sflag:s6] =	ssyncset.done $0x0  }
0x18: {  	[sflag:s6] =	ssyncadd.s32 s4;
	_ =	sdelay $0x1  }
0x19: {  	s24 =	simm.s32 $0x1B8B  }
0x1a: {  	_ =	swait.ge [sflag:s24], $0x1  }
0x1b: {  	[sflag:s24] =	ssyncset.done $0x0  }
0x1c: {  	[sflag:s24] =	ssyncadd.s32 $0xFFFFFFFF  }
0x1d: {  	s4 =	sld [smem:$0x0]  }
0x1e: {  	s5 =	sand.u32 $0xFFFFFFFE, s1  }
0x1f: {  	p0 =	sne.s32 s1, s5  }
0x20: {  	s5 =	sshll.u32 @p0 s5, $0xE  }
0x21: {  	s5 =	sadd.s32 @p0 $0x11B8D, s5;
	s6 =	sshll.u32 @p0 s4, $0x11  }
0x22: {  	s5 =	sor.u32 @p0 s6, s5  }
0x23: {  	[sflag:s5] =	ssyncadd.remote.s32 @p0 $0x1;
	_ =	sdelay $0x1  }
0x24: {  	s5 =	simm.s32 @p0 $0x1B8D  }
0x25: {  	_ =	swait.eq @p0 [sflag:s5], $0x1  }
0x26: {  	[sflag:s5] =	ssyncadd.s32 @p0 $0xFFFFFFFF  }
0x27: {  	s6 =	sshll.u32 @!p0 s1, $0xE  }
0x28: {  	s6 =	sor.u32 @!p0 $0x4000, s6;
	s5 =	simm.s32 @!p0 $0x1B8D  }
0x29: {  	s4 =	sshll.u32 @!p0 s4, $0x11;
	s6 =	sadd.s32 @!p0 $0x11B8D, s6;
	_ =	swait.eq @!p0 [sflag:s5], $0x1  }
0x2a: {  	s4 =	sor.u32 @!p0 s4, s6;
	[sflag:s5] =	ssyncadd.s32 @!p0 $0xFFFFFFFF  }
0x2b: {  	s26 =	simm.s32 $0x1B8E;
	s25 =	sld [smem:$0x3FFE];
	[sflag:s4] =	ssyncadd.remote.s32 @!p0 $0x1  }
0x2c: {  	s27 =	simm.s32 $execute0_lowered;
	[smem:$0x3FD2] =	sst s26  }
0x2d: {  	s5 =	sshll.u32 s27, $0x1;
	_ =	strace $0x8000005B;
	[dreg:$0x1] =	wrdreg $0xFFFFFFFF  }
0x2e: {  	s28 =	simm.s32 $_size_execute0_lowered;
	s3 =	sadd.s32 s3, s5;
	[dreg:$0x0] =	wrdreg $0x0  }
0x2f: {  	s5 =	sshll.u32 s28, $0x1;
	[dreg:$0x2] =	wrdreg s3  }
0x30: {  	[dreg:$0x3] =	wrdreg s5  }
0x31: {  	[dreg:$0x4] =	wrdreg $0xC0  }
0x32: {  	_ =	task [dreg:s23], $0x5FFFF  }
0x33: {  	[dreg:$0x1] =	wrdreg $0xFFFFFFFF  }
0x34: {  	[dreg:$0x0] =	wrdreg $0x60  }
0x35: {  	[dreg:$0x2] =	wrdreg s25  }
0x36: {  	[dreg:$0x3] =	wrdreg $0xA  }
0x37: {  	_ =	task.clear_ibuf [dreg:s23], $0x4FFFF;
	_ =	strace $0x9000005B  }
0x38: {  	s29 =	simm.s32 $0xA;
	_ =	strace $0x8000005D  }
0x39: {  	_ =	swait.ge [sflag:s29], $0x1  }
0x3a: {  	[sflag:s29] =	ssyncadd.s32 $0xFFFFFFFF  }
0x3b: {  	_ =	strace $0x9000005D  }
0x3c: {  	_ =	sfence  }
0x3d: {  	s30 =	sld [smem:$0x0];
	_ =	sdelay $0x2  }
0x3e: {  	s31 =	sshll.u32 s1, $0xD;
	s1 =	sshrl.u32 s1, $0x2  }
0x3f: {  	s4 =	sand.u32 $0x4000, s31;
	s1 =	sadd.s32 s1, s30  }
0x40: {  	s0 =	sor.u32 s4, s0;
	s1 =	sshll.u32 s1, $0x11  }
0x41: {  	s0 =	sor.u32 s1, s0  }
0x42: {  	s0 =	sadd.s32 $0x8F2B, s0  }
0x43: {  	[sflag:s0] =	ssyncadd.remote.s32 $0x1  }
0x44: {  	_ =	sfence.sel $0xFFFF  }
0x45: {  	[dreg:$0x0] =	wrdreg $0xFFFFFFFF;
	(pc) =	sbr.abs _section_cstart, $3  }
0x46: {  	[dreg:$0x1] =	wrdreg $0xFFFFFFFF  }
0x47: {  	_ =	task.clear_ibuf [dreg:s23], $0x2FFFF;
	_ =	strace $0x9FFFFFFF  }
0x48: {  	(tm) =	ssettm $0x7FFFFFFF  }
0x49: {  	_ =	shalt  }
tec
execute0_lowered:
.L_overlay_start_1:
0x0: {  	(tag) =	ssettag $0x1  }
0x1: {  	s0 =	srdreg.scid  }
0x2: {  	s5 =	rddreg [dreg:$0x0];
	s1 =	stileid.u32;
	s4 =	simm.s32 $0x1  }
0x3: {  	s6 =	simm.s32 $0x2;
	s8 =	simm.s32 $0x0;
	s2 =	sshll.u32 s0, $0x4  }
0x4: {  	p0 =	por $0x0, $0x0;
	s12 =	simm.s32 $0x0;
	s2 =	sand.u32 $0x10, s2  }
.Ltmp0:
0x5: {  	s9 =	simm.s32 $0x0;
	s3 =	sor.u32 s1, s2;
	(pc) =	sbr.rel .LBB1_1-.Ltmp0, $4  }
0x6: {  	s0 =	rddreg [dreg:$0x1];
	_ =	strace $0x8000005C;
	s3 =	sshll.u32 s3, $0x1  }
0x7: {  	s11 =	simm.s32 $0x0;
	[sflag:s4] =	ssyncpa.u1 $0x0;
	s7 =	ssub.s32 $0xDAC, s3  }
0x8: {  	s2 =	sadd.s32 $0x7E00, s5;
	[sflag:s6] =	ssyncpa.u1 $0x0;
	s6 =	sshrl.u32 s7, $0x6  }
0x9: {  	s5 =	sadd.s32 $0x373200, s5;
	s10 =	smov.u32 s3;
	s7 =	sadd.s32 $0x2, s6  }
.LBB1_7:
0xa: {  	s14 =	sshll.u32 s9, $0xA  }
0xb: {  	s14 =	sadd.s32 s5, s14  }
0xc: {  	[hbm4b:s14+s8] =	stream.linear.scatter [tilespmem:s15], [sflag:$0x2], s13, $0x20;
	[tilespmem:$0x10100] =	vst v63  }
.LBB1_8:
0xd: {  	p1 =	slt.u32 s11, $0x2  }
0xe: {  	p2 =	sgt.s32 @!p1 s12, $0xDAB  }
0xf: {  	s13 =	smov.u32 s12;
	s14 =	sshra.s32 @!p1 s12, $0x1F;
	p2 =	por !p2, p1  }
0x10: {  	s12 =	sand.u32 @!p1 s14, s12;
	s13 =	simm.s32 @p2 $0xDAB  }
0x11: {  	s12 =	ssub.s32 @!p1 s13, s12  }
0x12: {  	s12 =	sadd.s32 @!p1 $0xFFFFF255, s12  }
0x13: {  	s13 =	sshll.u32 @!p1 s12, $0xF  }
0x14: {  	p2 =	sgt.s32 @!p1 s12, $0x1;
	s12 =	ssub.s32 @!p1 $0x10000, s13  }
0x15: {  	s14 =	sadd.s32 $0x40, s10;
	p2 =	por !p2, p1;
	s12 =	sshrl.u32 @!p1 s12, $0x2  }
0x16: {  	s12 =	simm.s32 @!p2 $0x0;
	p2 =	sgt.s32 s14, $0xDAC  }
0x17: {  	s14 =	smov.u32 @p2 s3;
	p2 =	sne.s32 s11, s7  }
.Ltmp1:
0x18: {  	_ = 	snop;
	(pc) =	sbr.rel @!p2 .LBB1_9-.Ltmp1, $4  }
0x19: {  	s13 =	simm.s32 @!p1 $0x2  }
0x1a: {  	p0 =	por !p0, !p0;
	_ =	swait.ge @!p1 [sflag:s13], s12;
	s15 =	ssub.s32 @!p1 $0x0, s12  }
0x1b: {  	s12 =	smov.u32 s9;
	s11 =	sadd.s32 $0x1, s11;
	[sflag:s13] =	ssyncset.done @!p1 $0x0  }
0x1c: {  	s9 =	smov.u32 s10;
	s10 =	smov.u32 s14;
	[sflag:s13] =	ssyncadd.s32 @!p1 s15  }
.LBB1_1:
0x1d: {  	p1 =	sgt.u32 s11, s6  }
0x1e: {  	p2 =	sgt.s32 @!p1 s10, $0xDAB  }
0x1f: {  	s13 =	smov.u32 s10;
	s14 =	sshra.s32 @!p1 s10, $0x1F;
	p2 =	por !p2, p1  }
0x20: {  	s14 =	sand.u32 @!p1 s14, s10;
	s13 =	simm.s32 @p2 $0xDAB  }
0x21: {  	s13 =	ssub.s32 @!p1 s13, s14  }
0x22: {  	s13 =	sadd.s32 @!p1 $0xFFFFF255, s13  }
0x23: {  	s15 =	sshll.u32 @!p1 s10, $0xA;
	s16 =	simm.s32 @!p1 $0x0;
	s14 =	sshll.u32 @!p1 s13, $0xF  }
0x24: {  	p2 =	sgt.s32 @!p1 s13, $0x1;
	s13 =	ssub.s32 @!p1 $0x10000, s14;
	s14 =	sxor.u32 @!p1 $0xFFFFFFFF, s11  }
0x25: {  	p2 =	por !p2, p1;
	s13 =	sshrl.u32 @!p1 s13, $0x2;
	s14 =	sshll.u32 @!p1 s14, $0xE  }
0x26: {  	s15 =	sadd.s32 @!p1 s2, s15;
	s13 =	simm.s32 @!p2 $0x0;
	s14 =	sand.u32 @!p1 $0x4000, s14  }
0x27: {  	[tilespmem:s14], [sflag:$0x1] =	stream.linear.gather @!p1 [hbm4b:s15+s16], s13, $0x38;
	[tilespmem:$0x10100] =	vst v63  }
0x28: {  	p1 =	seq.s32 s11, $0x0  }
0x29: {  	p2 =	sge.u32 @!p1 s11, s7  }
0x2a: {  	p1 =	por p1, p2  }
.Ltmp2:
0x2b: {  	_ = 	snop;
	(pc) =	sbr.rel @p1 .LBB1_8-.Ltmp2, $1  }
0x2c: {  	_ =	sdelay $0x3  }
0x2d: {  	p1 =	sgt.s32 s9, $0xDAB;
	s13 =	smov.u32 s9;
	s14 =	sshra.s32 s9, $0x1F  }
0x2e: {  	s13 =	simm.s32 @!p1 $0xDAB;
	s14 =	sand.u32 s14, s9  }
0x2f: {  	s13 =	ssub.s32 s13, s14  }
0x30: {  	s13 =	sadd.s32 $0xFFFFF255, s13  }
0x31: {  	s31 =	sshll.u32 s13, $0xF  }
0x32: {  	s14 =	ssub.s32 $0x10000, s31  }
0x33: {  	p1 =	sgt.s32 s13, $0x1;
	s13 =	sshrl.u32 s14, $0x2;
	s14 =	sadd.s32 $0x2, s9  }
0x34: {  	s13 =	simm.s32 @p1 $0x0;
	p1 =	slt.s32 s14, $0xDAD  }
0x35: {  	s14 =	simm.s32 @!p1 $0xDAD  }
0x36: {  	s14 =	ssub.s32 s14, s9  }
0x37: {  	p1 =	slt.s32 s14, $0x1  }
.Ltmp3:
0x38: {  	s15 =	sand.u32 $0x1, s11;
	(pc) =	sbr.rel @p1 .LBB1_7-.Ltmp3, $4  }
0x39: {  	s15 =	smul.u32 $0x8100, s15  }
0x3a: {  	_ =	swait.ge [sflag:s4], s13  }
0x3b: {  	s15 =	sshrl.u32 s15, $0x1;
	s16 =	ssub.s32 $0x0, s13;
	[sflag:s4] =	ssyncset.done $0x0  }
0x3c: {  	s15 =	sor.u32 $0x8000, s15;
	[sflag:s4] =	ssyncadd.s32 s16  }
0x3d: {  	s16 =	simm.s32 $0x1  }
0x3e: {  	s16 =	simm.s32 @!p0 $0x0  }
0x3f: {  	s16 =	sshll.u32 s16, $0xE  }
0x40: {  	s17 =	simm.s32 $0x0;
	s16 =	sor.u32 $0x40, s16  }
.LBB1_4:
0x41: {  	v0 =	vld [tilespmem:s16+$0x20]  }
0x42: {  	v1 =	vld [tilespmem:s16+$0x30]  }
0x43: {  	v2 =	vld [tilespmem:s16+$0xFFFFFFD0]  }
0x44: {  	v3 =	vld [tilespmem:s16+$0xFFFFFFE0]  }
0x45: {  	v4 =	vld [tilespmem:s16+$0xFFFFFFF0]  }
0x46: {  	s18 =	smul.u32 $0x8100, s17;
	v5 =	vld [tilespmem:s16+$0x0]  }
0x47: {  	v6 =	vld [tilespmem:s16+$0x10]  }
0x48: {  	s25 =	sadd.s32 $0x80, s16;
	s18 =	sshra.s32 s18, $0x2;
	v1 =	vperm.xlane.i2c.b16 v1  }
0x49: {  	s20 =	simm.s32 $0x0;
	v10 =	vld [tilespmem:s25+$0x20];
	s18 =	sadd.s32 s18, s15;
	v7 =	vperm.xlane.i2c.b16 v0;
	v0 =	vperm.xlane.i2c.b16 v2  }
0x4a: {  	v8 =	vld [tilespmem:s16+$0xFFFFFFC0];
	s22 =	sand.u32 $0x3E, s20;
	s19 =	sadd.s32 $0x1830, s18;
	v3 =	vperm.xlane.i2c.b16 v3;
	v4 =	vperm.xlane.i2c.b16 v4  }
0x4b: {  	s24 =	sand.u32 $0x40, s20;
	v12 =	vld [tilespmem:s25+$0xFFFFFFD0];
	s20 =	sadd.s32 $0x810, s18;
	s21 =	sadd.s32 s22, s19;
	v5 =	vperm.xlane.i2c.b16 v5;
	v2 =	vcombine.low v7, v1  }
0x4c: {  	v11 =	vld [tilespmem:s25+$0x30];
	s26 =	sadd.s32 s22, s20;
	v6 =	vperm.xlane.i2c.b16 v6;
	s23 =	sadd.s32 s24, s21;
	v9 =	vcombine.low v3, v4  }
0x4d: {  	s21 =	sadd.s32 $0x1020, s18;
	s27 =	sadd.s32 s24, s26;
	v1 =	vcombine.high v7, v1;
	v7 =	vld [tilespmem:s25+$0xFFFFFFF0];
	[tilespmem:s23+$0x0 ss:$0x81] =	vst.msk $0xffff, v2  }
0x4e: {  	v10 =	vperm.xlane.i2c.b16 v10;
	s28 =	sadd.s32 s22, s21;
	v13 =	vcombine.low v5, v6;
	v2 =	vld [tilespmem:s25+$0xFFFFFFE0];
	[tilespmem:s27+$0x0 ss:$0x81] =	vst.msk $0xffff, v9  }
0x4f: {  	s31 =	sadd.s32 s22, s18;
	v4 =	vcombine.high v3, v4;
	v3 =	vld [tilespmem:s25+$0x0];
	s26 =	sadd.s32 s24, s28;
	[tilespmem:s23+$0x1 ss:$0x81] =	vst.msk $0xffff, v1;
	v1 =	vperm.xlane.i2c.b16 v8  }
0x50: {  	s22 =	sadd.s32 s24, s31;
	s28 =	simm.s32 $0x2;
	s24 =	simm.s32 $0x4;
	v9 =	vcombine.high v5, v6;
	v6 =	vld [tilespmem:s25+$0x10];
	v5 =	vperm.xlane.i2c.b16 v12;
	[tilespmem:s26+$0x0 ss:$0x81] =	vst.msk $0xffff, v13  }
0x51: {  	s23 =	simm.s32 $0x2;
	v8 =	vperm.xlane.i2c.b16 v11;
	[tilespmem:s27+$0x1 ss:$0x81] =	vst.msk $0xffff, v4;
	v4 =	vld [tilespmem:s25+$0xFFFFFFC0];
	s27 =	sand.u32 $0x3E, s28;
	s25 =	sadd.s32 $0x80, s25;
	v11 =	vcombine.low v1, v0  }
.LBB1_5:
0x52: {  	s29 =	sadd.s32 s27, s18  }
0x53: {  	v12 =	vld [tilespmem:s25+$0x20];
	s28 =	sand.u32 $0x40, s28;
	v13 =	vperm.xlane.i2c.b16 v2;
	v2 =	vcombine.low v10, v8;
	s30 =	sadd.s32 s27, s19;
	[tilespmem:s26+$0x1 ss:$0x81] =	vst.msk $0xffff, v9;
	s26 =	sadd.s32 s27, s20  }
0x54: {  	s27 =	sadd.s32 s27, s21;
	s23 =	sadd.s32 $0x2, s23;
	v14 =	vld [tilespmem:s25+$0x30];
	v9 =	vperm.xlane.i2c.b16 v7;
	s30 =	sadd.s32 s28, s30;
	v7 =	vcombine.high v10, v8;
	[tilespmem:s22+$0x0 ss:$0x81] =	vst.msk $0xffff, v11  }
0x55: {  	s29 =	sadd.s32 s28, s29;
	s31 =	sadd.s32 s28, s26;
	p1 =	slt.u32 s23, $0x7E;
	v11 =	vld [tilespmem:s25+$0xFFFFFFD0];
	v8 =	vperm.xlane.i2c.b16 v3;
	[tilespmem:s30+$0x0 ss:$0x81] =	vst.msk $0xffff, v2;
	v3 =	vcombine.high v1, v0;
	v0 =	vmov v5  }
.Ltmp4:
0x56: {  	s26 =	sadd.s32 s28, s27;
	v2 =	vld [tilespmem:s25+$0xFFFFFFE0];
	v5 =	vcombine.low v13, v9;
	v6 =	vperm.xlane.i2c.b16 v6;
	[tilespmem:s30+$0x1 ss:$0x81] =	vst.msk $0xffff, v7;
	(pc) =	sbr.rel @p1 .LBB1_5-.Ltmp4, $4  }
0x57: {  	v7 =	vld [tilespmem:s25+$0xFFFFFFF0];
	v1 =	vperm.xlane.i2c.b16 v4;
	v4 =	vcombine.high v13, v9;
	[tilespmem:s22+$0x1 ss:$0x81] =	vst.msk $0xffff, v3;
	s22 =	smov.u32 s29  }
0x58: {  	s24 =	sadd.s32 $0x4, s24;
	v3 =	vld [tilespmem:s25+$0x0];
	[tilespmem:s31+$0x0 ss:$0x81] =	vst.msk $0xffff, v5;
	v13 =	vcombine.low v8, v6;
	v9 =	vcombine.high v8, v6  }
0x59: {  	s28 =	sshrl.u32 s24, $0x1;
	v10 =	vperm.xlane.i2c.b16 v12;
	v6 =	vld [tilespmem:s25+$0x10];
	v8 =	vperm.xlane.i2c.b16 v14;
	[tilespmem:s31+$0x1 ss:$0x81] =	vst.msk $0xffff, v4  }
0x5a: {  	s27 =	sand.u32 $0x3E, s28;
	v4 =	vld [tilespmem:s25+$0xFFFFFFC0];
	v5 =	vperm.xlane.i2c.b16 v11;
	s25 =	sadd.s32 $0x80, s25;
	v11 =	vcombine.low v1, v0;
	[tilespmem:s26+$0x0 ss:$0x81] =	vst.msk $0xffff, v13  }
0x5b: {  	s23 =	sand.u32 $0x40, s28;
	v2 =	vperm.xlane.i2c.b16 v2;
	v12 =	vcombine.low v10, v8;
	s19 =	sadd.s32 s27, s19;
	[tilespmem:s26+$0x1 ss:$0x81] =	vst.msk $0xffff, v9  }
0x5c: {  	v0 =	vcombine.high v1, v0;
	v7 =	vperm.xlane.i2c.b16 v7;
	s19 =	sadd.s32 s23, s19;
	[tilespmem:s22+$0x0 ss:$0x81] =	vst.msk $0xffff, v11  }
0x5d: {  	v59 =	vcombine.high v10, v8;
	v3 =	vperm.xlane.i2c.b16 v3;
	[tilespmem:s19+$0x0 ss:$0x81] =	vst.msk $0xffff, v12  }
0x5e: {  	s20 =	sadd.s32 s27, s20;
	[tilespmem:s22+$0x1 ss:$0x81] =	vst.msk $0xffff, v0;
	v60 =	vcombine.low v2, v7;
	v6 =	vperm.xlane.i2c.b16 v6  }
0x5f: {  	s17 =	sadd.s32 $0x1, s17;
	s30 =	sadd.s32 s23, s20;
	[tilespmem:s19+$0x1 ss:$0x81] =	vst.msk $0xffff, v59;
	v2 =	vcombine.high v2, v7  }
0x60: {  	s31 =	sadd.s32 s27, s21;
	p1 =	sne.s32 s17, s14;
	v61 =	vperm.xlane.i2c.b16 v4;
	[tilespmem:s30+$0x0 ss:$0x81] =	vst.msk $0xffff, v60;
	v62 =	vcombine.low v3, v6  }
.Ltmp5:
0x61: {  	s20 =	sadd.s32 s23, s31;
	v3 =	vcombine.high v3, v6;
	[tilespmem:s30+$0x1 ss:$0x81] =	vst.msk $0xffff, v2;
	(pc) =	sbr.rel @p1 .LBB1_4-.Ltmp5, $4  }
.Ltmp6:
0x62: {  	s18 =	sadd.s32 s27, s18;
	v63 =	vcombine.low v61, v5;
	[tilespmem:s20+$0x0 ss:$0x81] =	vst.msk $0xffff, v62;
	(pc) =	sbr.rel @!p1 .LBB1_7-.Ltmp6, $4  }
0x63: {  	s18 =	sadd.s32 s23, s18;
	v0 =	vcombine.high v61, v5;
	[tilespmem:s20+$0x1 ss:$0x81] =	vst.msk $0xffff, v3  }
0x64: {  	[tilespmem:s18+$0x0 ss:$0x81] =	vst.msk $0xffff, v63  }
0x65: {  	s16 =	sadd.s32 $0x2000, s16;
	[tilespmem:s18+$0x1 ss:$0x81] =	vst.msk $0xffff, v0  }
0x66: {  	_ = 	snop  }
.LBB1_9:
0x67: {  	_ =	sfence.sel $0x180000  }
0x68: {  	s2 =	simm.s32 $0x1;
	[bflag:$0x0] =	sbarrier.arrive $0xFFFF  }
0x69: {  	s31 =	simm.s32 $0x2;
	[sflag:s2] =	ssyncpa.u1 $0x1  }
0x6a: {  	[sflag:s31] =	ssyncpa.u1 $0x1  }
0x6b: {  	p0 =	sne.s32 s1, $0x0;
	_ =	strace $0x9000005C  }
0x6c: {  	s0 =	sadd.s32 @!p0 $0x100000, s0;
	[bflag:$0x2] =	sbarrier.arrive $0xFFFF  }
0x6d: {  	[sflag:s0] =	ssyncadd.tile.s32 @!p0 $0x1;
	_ =	shalt  }
.Lfunc_end1:
_tile_overlayer_lowered:
.L_overlay_start_2:
0x6e: {  	(tag) =	ssettag $0x2  }
0x6f: {  	s0 =	rddreg [dreg:$0x0];
	s2 =	stileid.u32  }
0x70: {  	s1 =	rddreg [dreg:$0x1];
	p0 =	sne.s32 s2, $0x0  }
0x71: {  	s3 =	rddreg [dreg:$0x2];
	[bflag:$0x3] =	sbarrier.arrive $0xFFFF;
	s2 =	simm.s32 @!p0 $0x1C01  }
0x72: {  	[timem:s3], [sflag:s2] =	dma.local @!p0 [hbm:s0], s1  }
0x73: {  	s0 =	simm.s32 @!p0 $0x1  }
0x74: {  	_ =	swait.ge @!p0 [sflag:s0], s1  }
0x75: {  	s1 =	ssub.s32 @!p0 $0x0, s1;
	[sflag:s0] =	ssyncset.done @!p0 $0x0  }
0x76: {  	[sflag:s0] =	ssyncadd.s32 @!p0 s1  }
0x77: {  	[bflag:$0x3] =	sbarrier.arrive $0xFFFF  }
0x78: {  	_ =	shalt  }

// kernel: sparse-core-data-format-call.2.cloned.1.call-start
scs
called_computation.2_lowered:
.L_overlay_start_0:
0x0: {  	s1 =	sld [smem:$0x3FD9]  }
0x1: {  	s2 =	sld [smem:$0x3FFE];
	_ =	sdelay $0x1  }
0x2: {  	s3 =	srdreg.scid  }
0x3: {  	s0 =	sand.u32 $0x1, s3  }
0x4: {  	s17 =	sshll.u32 s0, $0xA;
	s1 =	sadd.s32 s2, s1  }
0x5: {  	s1 =	sadd.s32 s1, s17  }
0x6: {  	[smem:$0x3F98] =	sst s1  }
0x7: {  	_ = 	snop  }
0x8: {  	(tm) =	ssettm $0x1  }
0x9: {  	s18 =	sld [smem:$0x3FFB];
	_ =	sdelay $0x3  }
0xa: {  	_ =	strace s18  }
0xb: {  	s1 =	sld [smem:$0x3FFC];
	_ =	sdelay $0x3  }
0xc: {  	_ =	strace s1  }
0xd: {  	s1 =	sld [smem:$0x3FFD];
	_ =	sdelay $0x3  }
0xe: {  	_ =	strace s1  }
0xf: {  	_ =	strace $0x8FFFFFFF  }
0x10: {  	s19 =	sld [smem:$0x3FDB];
	_ =	sdelay $0x1  }
0x11: {  	s20 =	simm.s32 $_scs_section_size  }
0x12: {  	s4 =	simm.s32 $_size__tile_overlayer_lowered;
	s5 =	simm.s32 $_tile_overlayer_lowered  }
0x13: {  	s23 =	simm.s32 $0x1BFF;
	s22 =	sshll.u32 s5, $0x1;
	s1 =	sadd.s32 s20, s19  }
0x14: {  	s6 =	simm.s32 $0x0;
	s21 =	sshll.u32 s4, $0x1;
	s4 =	sadd.s32 s22, s1  }
0x15: {  	[timem:s6], [sflag:s23] =	dma.local [hbm:s4], s21  }
0x16: {  	_ =	swait.ge [sflag:s23], s21  }
0x17: {  	s2 =	ssub.s32 $0x0, s21;
	[sflag:s23] =	ssyncset.done $0x0  }
0x18: {  	[sflag:s23] =	ssyncadd.s32 s2;
	_ =	sdelay $0x1  }
0x19: {  	s24 =	simm.s32 $0x1B8B  }
0x1a: {  	_ =	swait.ge [sflag:s24], $0x1  }
0x1b: {  	[sflag:s24] =	ssyncset.done $0x0  }
0x1c: {  	s26 =	simm.s32 $0x1B8E;
	s25 =	sld [smem:$0x3FFE];
	[sflag:s24] =	ssyncadd.s32 $0xFFFFFFFF  }
0x1d: {  	s27 =	simm.s32 $execute0_lowered;
	[smem:$0x3FD2] =	sst s26  }
0x1e: {  	s4 =	sshll.u32 s27, $0x1;
	_ =	strace $0x80000055;
	[dreg:$0x1] =	wrdreg $0xFFFFFFFF  }
0x1f: {  	s28 =	simm.s32 $_size_execute0_lowered;
	s1 =	sadd.s32 s1, s4;
	[dreg:$0x0] =	wrdreg $0x0  }
0x20: {  	s4 =	sshll.u32 s28, $0x1;
	[dreg:$0x2] =	wrdreg s1  }
0x21: {  	[dreg:$0x3] =	wrdreg s4  }
0x22: {  	[dreg:$0x4] =	wrdreg $0xC0  }
0x23: {  	_ =	task [dreg:s6], $0x5FFFF  }
0x24: {  	[dreg:$0x1] =	wrdreg $0xFFFFFFFF  }
0x25: {  	[dreg:$0x0] =	wrdreg $0x60  }
0x26: {  	[dreg:$0x2] =	wrdreg s25  }
0x27: {  	[dreg:$0x3] =	wrdreg $0xA  }
0x28: {  	_ =	task.clear_ibuf [dreg:s6], $0x4FFFF;
	_ =	strace $0x90000055  }
0x29: {  	s29 =	simm.s32 $0xA;
	_ =	strace $0x80000057  }
0x2a: {  	_ =	swait.ge [sflag:s29], $0x1  }
0x2b: {  	[sflag:s29] =	ssyncadd.s32 $0xFFFFFFFF  }
0x2c: {  	_ =	strace $0x90000057  }
0x2d: {  	_ =	sfence  }
0x2e: {  	s30 =	sld [smem:$0x0];
	_ =	sdelay $0x2  }
0x2f: {  	s31 =	sshll.u32 s3, $0xD;
	s3 =	sshrl.u32 s3, $0x2  }
0x30: {  	s2 =	sand.u32 $0x4000, s31;
	s1 =	sadd.s32 s3, s30  }
0x31: {  	s0 =	sor.u32 s2, s0;
	s1 =	sshll.u32 s1, $0x11  }
0x32: {  	s0 =	sor.u32 s1, s0  }
0x33: {  	s0 =	sadd.s32 $0x8F2B, s0  }
0x34: {  	[sflag:s0] =	ssyncadd.remote.s32 $0x1  }
0x35: {  	_ =	sfence.sel $0xFFFF  }
0x36: {  	[dreg:$0x0] =	wrdreg $0xFFFFFFFF;
	(pc) =	sbr.abs _section_cstart, $3  }
0x37: {  	[dreg:$0x1] =	wrdreg $0xFFFFFFFF  }
0x38: {  	_ =	task.clear_ibuf [dreg:s6], $0x2FFFF;
	_ =	strace $0x9FFFFFFF  }
0x39: {  	(tm) =	ssettm $0x7FFFFFFF  }
tec
execute0_lowered:
.L_overlay_start_1:
0x0: {  	(tag) =	ssettag $0x1  }
0x1: {  	s0 =	srdreg.scid;
	s4 =	rddreg [dreg:$0x0]  }
0x2: {  	s1 =	stileid.u32;
	s5 =	simm.s32 $0x1;
	s7 =	simm.s32 $0x2  }
0x3: {  	s8 =	simm.s32 $0x0;
	p0 =	por $0x0, $0x0;
	s2 =	sshll.u32 s0, $0x4  }
.Ltmp0:
0x4: {  	s11 =	simm.s32 $0x0;
	s3 =	sand.u32 $0x10, s2;
	(pc) =	sbr.rel .LBB1_1-.Ltmp0, $4  }
0x5: {  	s10 =	simm.s32 $0x0;
	s0 =	rddreg [dreg:$0x1];
	s3 =	sor.u32 s1, s3  }
0x6: {  	_ =	strace $0x80000056;
	s2 =	sadd.s32 $0x7E00, s4;
	s6 =	ssub.s32 $0x6FA, s3  }
0x7: {  	s4 =	sadd.s32 $0x375600, s4;
	[sflag:s5] =	ssyncpa.u1 $0x0;
	s6 =	sshrl.u32 s6, $0x5  }
0x8: {  	[sflag:s7] =	ssyncpa.u1 $0x0;
	s9 =	smov.u32 s3;
	s7 =	sadd.s32 $0x1, s6  }
.LBB1_4:
0x9: {  	[tilespmem:s16+$0x1 ss:$0x81] =	vst.msk $0xffff, v11;
	v7 =	vcombine.high v7, v9;
	v4 =	vperm.xlane.i2c.b16 v4;
	v48 =	vld [tilespmem:s14+$0x430]  }
0xa: {  	[tilespmem:s16+$0x810 ss:$0x81] =	vst.msk $0xffff, v12;
	v49 =	vcombine.low v8, v10;
	v2 =	vperm.xlane.i2c.b16 v2;
	v50 =	vld [tilespmem:s14+$0x440]  }
0xb: {  	v51 =	vcombine.high v8, v10;
	v52 =	vld [tilespmem:s14+$0x450];
	v0 =	vcombine.high v0, v1;
	[tilespmem:s16+$0x811 ss:$0x81] =	vst.msk $0xffff, v7  }
0xc: {  	v5 =	vperm.xlane.i2c.b16 v5;
	v3 =	vperm.xlane.i2c.b16 v3;
	[tilespmem:s16+$0x1020 ss:$0x81] =	vst.msk $0xffff, v49  }
0xd: {  	v54 =	vperm.xlane.i2c.b16 v6;
	v53 =	vcombine.low v4, v2;
	[tilespmem:s12+$0x3061 ss:$0x81] =	vst.msk $0xffff, v0  }
0xe: {  	v2 =	vcombine.high v4, v2;
	v55 =	vcombine.low v5, v3;
	[tilespmem:s16+$0x1021 ss:$0x81] =	vst.msk $0xffff, v51  }
0xf: {  	v57 =	vcombine.high v5, v3;
	[tilespmem:s16+$0x1830 ss:$0x81] =	vst.msk $0xffff, v53;
	v56 =	vperm.xlane.i2c.b16 v48  }
0x10: {  	[tilespmem:s16+$0x2040 ss:$0x81] =	vst.msk $0xffff, v55;
	v58 =	vperm.xlane.i2c.b16 v50;
	v60 =	vperm.xlane.i2c.b16 v52  }
0x11: {  	[tilespmem:s16+$0x1831 ss:$0x81] =	vst.msk $0xffff, v2;
	v59 =	vcombine.low v54, v56  }
0x12: {  	[tilespmem:s16+$0x2041 ss:$0x81] =	vst.msk $0xffff, v57;
	v62 =	vcombine.low v58, v60  }
0x13: {  	v61 =	vcombine.high v54, v56;
	[tilespmem:s16+$0x2850 ss:$0x81] =	vst.msk $0xffff, v59  }
0x14: {  	v63 =	vcombine.high v58, v60;
	[tilespmem:s16+$0x3060 ss:$0x81] =	vst.msk $0xffff, v62  }
0x15: {  	s11 =	sshll.u32 s11, $0xB;
	[tilespmem:s16+$0x2851 ss:$0x81] =	vst.msk $0xffff, v61  }
0x16: {  	s11 =	sadd.s32 s4, s11;
	[tilespmem:s16+$0x3061 ss:$0x81] =	vst.msk $0xffff, v63  }
0x17: {  	[hbm4b:s11+s8] =	stream.linear.scatter [tilespmem:s17], [sflag:$0x2], $0x4000, $0x20;
	[tilespmem:$0x10100] =	vst v63  }
.LBB1_5:
0x18: {  	s13 =	sadd.s32 $0x20, s9  }
0x19: {  	p2 =	sgt.s32 s13, $0x6DA  }
0x1a: {  	s13 =	smov.u32 @p2 s3;
	p2 =	sne.s32 s10, s7  }
.Ltmp1:
0x1b: {  	p1 =	slt.u32 s10, $0x2;
	(pc) =	sbr.rel @!p2 .LBB1_6-.Ltmp1, $4  }
0x1c: {  	s12 =	simm.s32 @!p1 $0x2  }
0x1d: {  	s14 =	sadd.s32 $0x1, s10;
	_ =	swait.ge @!p1 [sflag:s12], $0x4000  }
0x1e: {  	s11 =	smov.u32 s9;
	p0 =	por !p0, !p0;
	[sflag:s12] =	ssyncset.done @!p1 $0x0  }
0x1f: {  	s10 =	smov.u32 s14;
	s9 =	smov.u32 s13;
	[sflag:s12] =	ssyncadd.s32 @!p1 $0xFFFFC000  }
.LBB1_1:
0x20: {  	p1 =	sge.u32 s10, s6  }
0x21: {  	s12 =	sxor.u32 @!p1 $0xFFFFFFFF, s10  }
0x22: {  	s31 =	sadd.s32 $0xFFFFFFFF, s10;
	s13 =	sshll.u32 @!p1 s9, $0xB;
	s12 =	sshll.u32 @!p1 s12, $0xE  }
0x23: {  	s14 =	simm.s32 @!p1 $0x0;
	s13 =	sadd.s32 @!p1 s2, s13;
	s12 =	sand.u32 @!p1 $0x4000, s12  }
0x24: {  	[tilespmem:s12], [sflag:$0x1] =	stream.linear.gather @!p1 [hbm4b:s13+s14], $0x4000, $0x38;
	[tilespmem:$0x10100] =	vst v63  }
0x25: {  	p1 =	sge.u32 s31, s6  }
.Ltmp2:
0x26: {  	_ = 	snop;
	(pc) =	sbr.rel @p1 .LBB1_5-.Ltmp2, $1  }
0x27: {  	_ =	sdelay $0x3  }
0x28: {  	s16 =	sand.u32 $0x1, s10;
	s12 =	simm.s32 $0x0  }
0x29: {  	_ =	swait.ge [sflag:s5], $0x4000;
	s13 =	sshll.u32 s16, $0xE;
	s14 =	sand.u32 $0x3800, s12  }
0x2a: {  	[sflag:s5] =	ssyncset.done $0x0;
	s12 =	sand.u32 $0x380, s12;
	s14 =	sadd.s32 s14, s13  }
0x2b: {  	[sflag:s5] =	ssyncadd.s32 $0xFFFFC000;
	s17 =	sadd.s32 s12, s14  }
0x2c: {  	v0 =	vld [tilespmem:s17+$0x460]  }
0x2d: {  	v1 =	vld [tilespmem:s17+$0x470]  }
0x2e: {  	v2 =	vld [tilespmem:s17+$0x0]  }
0x2f: {  	v3 =	vld [tilespmem:s17+$0x10]  }
0x30: {  	v4 =	vld [tilespmem:s17+$0x20]  }
0x31: {  	s12 =	simm.s32 $0x1;
	v5 =	vld [tilespmem:s17+$0x30]  }
0x32: {  	s12 =	simm.s32 @!p0 $0x0;
	v6 =	vld [tilespmem:s17+$0x40]  }
0x33: {  	v7 =	vld [tilespmem:s17+$0x50];
	s12 =	smul.u32 $0x10200, s12;
	v1 =	vperm.xlane.i2c.b16 v1;
	v0 =	vperm.xlane.i2c.b16 v0  }
0x34: {  	v8 =	vld [tilespmem:s17+$0x60];
	v2 =	vperm.xlane.i2c.b16 v2;
	v3 =	vperm.xlane.i2c.b16 v3  }
0x35: {  	v10 =	vld [tilespmem:s17+$0x70];
	s12 =	sshrl.u32 s12, $0x2;
	v9 =	vcombine.low v0, v1;
	v0 =	vcombine.high v0, v1  }
0x36: {  	s12 =	sor.u32 $0x8000, s12;
	v1 =	vperm.xlane.i2c.b16 v5;
	v5 =	vld [tilespmem:s17+$0x400];
	v11 =	vcombine.low v2, v3  }
0x37: {  	v4 =	vperm.xlane.i2c.b16 v4;
	v2 =	vcombine.high v2, v3;
	v3 =	vld [tilespmem:s17+$0x410];
	[tilespmem:s12+$0x3870 ss:$0x81] =	vst.msk $0xffff, v9  }
0x38: {  	s30 =	simm.s32 $0x100;
	v6 =	vperm.xlane.i2c.b16 v6;
	v7 =	vperm.xlane.i2c.b16 v7;
	v9 =	vld [tilespmem:s17+$0x420];
	[tilespmem:s12+$0x0 ss:$0x81] =	vst.msk $0xffff, v11  }
0x39: {  	s15 =	simm.s32 $0x80;
	s14 =	sand.u32 $0x3800, s30;
	[tilespmem:s12+$0x3871 ss:$0x81] =	vst.msk $0xffff, v0;
	v0 =	vcombine.low v4, v1;
	v1 =	vcombine.high v4, v1;
	v4 =	vld [tilespmem:s17+$0x430]  }
0x3a: {  	s18 =	sand.u32 $0x380, s15;
	s14 =	sadd.s32 s14, s13;
	[tilespmem:s12+$0x1 ss:$0x81] =	vst.msk $0xffff, v2;
	v2 =	vperm.xlane.i2c.b16 v8;
	v8 =	vperm.xlane.i2c.b16 v10;
	v10 =	vld [tilespmem:s17+$0x440]  }
0x3b: {  	s14 =	sadd.s32 s18, s14;
	[tilespmem:s12+$0x810 ss:$0x81] =	vst.msk $0xffff, v0;
	v0 =	vcombine.low v6, v7;
	v6 =	vcombine.high v6, v7;
	v7 =	vld [tilespmem:s17+$0x450]  }
0x3c: {  	v11 =	vcombine.low v2, v8;
	v2 =	vcombine.high v2, v8;
	v8 =	vld [tilespmem:s14+$0x0];
	[tilespmem:s12+$0x811 ss:$0x81] =	vst.msk $0xffff, v1  }
0x3d: {  	v1 =	vperm.xlane.i2c.b16 v5;
	v5 =	vld [tilespmem:s14+$0x460];
	[tilespmem:s12+$0x1020 ss:$0x81] =	vst.msk $0xffff, v0;
	v0 =	vperm.xlane.i2c.b16 v3  }
0x3e: {  	v3 =	vld [tilespmem:s14+$0x470];
	[tilespmem:s12+$0x1021 ss:$0x81] =	vst.msk $0xffff, v6;
	v6 =	vperm.xlane.i2c.b16 v9  }
0x3f: {  	[tilespmem:s12+$0x1830 ss:$0x81] =	vst.msk $0xffff, v11;
	v11 =	vld [tilespmem:s14+$0x10];
	v4 =	vperm.xlane.i2c.b16 v4;
	v9 =	vcombine.low v1, v0  }
0x40: {  	v12 =	vcombine.high v1, v0;
	v0 =	vperm.xlane.i2c.b16 v10  }
0x41: {  	[tilespmem:s12+$0x1831 ss:$0x81] =	vst.msk $0xffff, v2;
	v2 =	vld [tilespmem:s14+$0x20];
	v10 =	vcombine.low v6, v4;
	v1 =	vperm.xlane.i2c.b16 v7  }
0x42: {  	v4 =	vcombine.high v6, v4;
	v8 =	vperm.xlane.i2c.b16 v8;
	[tilespmem:s12+$0x2040 ss:$0x81] =	vst.msk $0xffff, v9;
	v9 =	vld [tilespmem:s14+$0x30]  }
0x43: {  	v6 =	vld [tilespmem:s14+$0x40];
	v5 =	vperm.xlane.i2c.b16 v5;
	[tilespmem:s12+$0x2041 ss:$0x81] =	vst.msk $0xffff, v12;
	v3 =	vperm.xlane.i2c.b16 v3  }
0x44: {  	[tilespmem:s12+$0x2850 ss:$0x81] =	vst.msk $0xffff, v10;
	v10 =	vld [tilespmem:s14+$0x50];
	v12 =	vcombine.low v0, v1;
	v11 =	vperm.xlane.i2c.b16 v11  }
0x45: {  	[tilespmem:s12+$0x2851 ss:$0x81] =	vst.msk $0xffff, v4;
	v4 =	vld [tilespmem:s14+$0x60];
	v13 =	vcombine.low v5, v3  }
0x46: {  	s31 =	smul.u32 $0x10200, s16;
	s16 =	sadd.s32 $0x2, s12;
	v7 =	vperm.xlane.i2c.b16 v2;
	v2 =	vld [tilespmem:s14+$0x70];
	[tilespmem:s12+$0x3060 ss:$0x81] =	vst.msk $0xffff, v12;
	v12 =	vcombine.low v8, v11  }
0x47: {  	v14 =	vcombine.high v5, v3;
	v5 =	vld [tilespmem:s14+$0x400];
	v9 =	vperm.xlane.i2c.b16 v9;
	[tilespmem:s16+$0x3870 ss:$0x81] =	vst.msk $0xffff, v13  }
0x48: {  	s17 =	sshrl.u32 s31, $0x2;
	v11 =	vcombine.high v8, v11;
	v3 =	vld [tilespmem:s14+$0x410];
	v8 =	vperm.xlane.i2c.b16 v6;
	[tilespmem:s16+$0x0 ss:$0x81] =	vst.msk $0xffff, v12  }
0x49: {  	s19 =	simm.s32 $0x200;
	s18 =	simm.s32 $0x2;
	s17 =	sor.u32 $0x8000, s17;
	v6 =	vld [tilespmem:s14+$0x420];
	[tilespmem:s16+$0x3871 ss:$0x81] =	vst.msk $0xffff, v14;
	v10 =	vperm.xlane.i2c.b16 v10;
	v12 =	vcombine.low v7, v9  }
.LBB1_3:
0x4a: {  	s20 =	sand.u32 $0x3800, s19;
	[tilespmem:s16+$0x1 ss:$0x81] =	vst.msk $0xffff, v11;
	v7 =	vcombine.high v7, v9;
	v4 =	vperm.xlane.i2c.b16 v4;
	v9 =	vld [tilespmem:s14+$0x430];
	s15 =	sadd.s32 $0x80, s15  }
0x4b: {  	v11 =	vcombine.low v8, v10;
	v2 =	vperm.xlane.i2c.b16 v2;
	s21 =	sand.u32 $0x380, s15;
	s20 =	sadd.s32 s20, s13;
	[tilespmem:s16+$0x810 ss:$0x81] =	vst.msk $0xffff, v12;
	v12 =	vld [tilespmem:s14+$0x440]  }
0x4c: {  	s18 =	sadd.s32 $0x2, s18;
	v5 =	vperm.xlane.i2c.b16 v5;
	[tilespmem:s16+$0x811 ss:$0x81] =	vst.msk $0xffff, v7;
	v7 =	vcombine.high v8, v10;
	v8 =	vld [tilespmem:s14+$0x450];
	s14 =	sadd.s32 s21, s20  }
0x4d: {  	v3 =	vperm.xlane.i2c.b16 v3;
	p1 =	slt.u32 s18, $0x7E;
	v10 =	vld [tilespmem:s14+$0x460];
	[tilespmem:s16+$0x1020 ss:$0x81] =	vst.msk $0xffff, v11;
	v11 =	vcombine.low v4, v2  }
0x4e: {  	v2 =	vcombine.high v4, v2;
	v4 =	vperm.xlane.i2c.b16 v6;
	v13 =	vld [tilespmem:s14+$0x470];
	[tilespmem:s16+$0x1021 ss:$0x81] =	vst.msk $0xffff, v7  }
0x4f: {  	v7 =	vcombine.low v5, v3;
	v6 =	vld [tilespmem:s14+$0x0];
	[tilespmem:s16+$0x1830 ss:$0x81] =	vst.msk $0xffff, v11;
	v9 =	vperm.xlane.i2c.b16 v9  }
0x50: {  	v11 =	vld [tilespmem:s14+$0x10];
	[tilespmem:s16+$0x1831 ss:$0x81] =	vst.msk $0xffff, v2;
	v2 =	vcombine.high v5, v3;
	v3 =	vperm.xlane.i2c.b16 v12  }
0x51: {  	v5 =	vld [tilespmem:s14+$0x20];
	[tilespmem:s16+$0x2040 ss:$0x81] =	vst.msk $0xffff, v7;
	v7 =	vcombine.low v4, v9;
	v8 =	vperm.xlane.i2c.b16 v8  }
0x52: {  	v12 =	vld [tilespmem:s14+$0x30];
	[tilespmem:s16+$0x2041 ss:$0x81] =	vst.msk $0xffff, v2;
	v2 =	vcombine.high v4, v9;
	v9 =	vcombine.high v0, v1;
	v0 =	vmov v3  }
0x53: {  	v10 =	vperm.xlane.i2c.b16 v10;
	v3 =	vld [tilespmem:s14+$0x40];
	v13 =	vperm.xlane.i2c.b16 v13;
	[tilespmem:s16+$0x2850 ss:$0x81] =	vst.msk $0xffff, v7;
	v1 =	vmov v8  }
0x54: {  	v6 =	vperm.xlane.i2c.b16 v6;
	v14 =	vld [tilespmem:s14+$0x50];
	[tilespmem:s16+$0x2851 ss:$0x81] =	vst.msk $0xffff, v2;
	v8 =	vcombine.low v0, v1  }
.Ltmp3:
0x55: {  	v11 =	vperm.xlane.i2c.b16 v11;
	v4 =	vld [tilespmem:s14+$0x60];
	v15 =	vcombine.low v10, v13;
	[tilespmem:s12+$0x3061 ss:$0x81] =	vst.msk $0xffff, v9;
	s12 =	smov.u32 s16;
	(pc) =	sbr.rel @p1 .LBB1_3-.Ltmp3, $4  }
0x56: {  	v10 =	vcombine.high v10, v13;
	s16 =	sadd.s32 $0x2, s16;
	v7 =	vperm.xlane.i2c.b16 v5;
	v2 =	vld [tilespmem:s14+$0x70];
	[tilespmem:s12+$0x3060 ss:$0x81] =	vst.msk $0xffff, v8  }
0x57: {  	v13 =	vcombine.low v6, v11;
	v9 =	vperm.xlane.i2c.b16 v12;
	v5 =	vld [tilespmem:s14+$0x400];
	[tilespmem:s16+$0x3870 ss:$0x81] =	vst.msk $0xffff, v15  }
0x58: {  	v11 =	vcombine.high v6, v11;
	v8 =	vperm.xlane.i2c.b16 v3;
	v3 =	vld [tilespmem:s14+$0x410];
	[tilespmem:s16+$0x3871 ss:$0x81] =	vst.msk $0xffff, v10  }
0x59: {  	s19 =	sadd.s32 $0x100, s19;
	[tilespmem:s16+$0x0 ss:$0x81] =	vst.msk $0xffff, v13;
	v12 =	vcombine.low v7, v9;
	v10 =	vperm.xlane.i2c.b16 v14;
	v6 =	vld [tilespmem:s14+$0x420]  }
.Ltmp4:
0x5a: {  	_ = 	snop;
	(pc) =	sbr.rel .LBB1_4-.Ltmp4, $1  }
0x5b: {  	_ =	sdelay $0x3  }
.LBB1_6:
0x5c: {  	_ =	sfence.sel $0x180000  }
0x5d: {  	s2 =	simm.s32 $0x1;
	[bflag:$0x0] =	sbarrier.arrive $0xFFFF  }
0x5e: {  	s31 =	simm.s32 $0x2;
	[sflag:s2] =	ssyncpa.u1 $0x1  }
0x5f: {  	[sflag:s31] =	ssyncpa.u1 $0x1  }
0x60: {  	p0 =	sne.s32 s1, $0x0;
	_ =	strace $0x90000056  }
0x61: {  	s0 =	sadd.s32 @!p0 $0x100000, s0;
	[bflag:$0x2] =	sbarrier.arrive $0xFFFF  }
0x62: {  	[sflag:s0] =	ssyncadd.tile.s32 @!p0 $0x1;
	_ =	shalt  }
.Lfunc_end1:
_tile_overlayer_lowered:
.L_overlay_start_2:
0x63: {  	(tag) =	ssettag $0x2  }
0x64: {  	s0 =	rddreg [dreg:$0x0];
	s2 =	stileid.u32  }
0x65: {  	s1 =	rddreg [dreg:$0x1];
	p0 =	sne.s32 s2, $0x0  }
0x66: {  	s3 =	rddreg [dreg:$0x2];
	[bflag:$0x3] =	sbarrier.arrive $0xFFFF;
	s2 =	simm.s32 @!p0 $0x1C01  }
0x67: {  	[timem:s3], [sflag:s2] =	dma.local @!p0 [hbm:s0], s1  }
0x68: {  	s0 =	simm.s32 @!p0 $0x1  }
0x69: {  	_ =	swait.ge @!p0 [sflag:s0], s1  }
0x6a: {  	s1 =	ssub.s32 @!p0 $0x0, s1;
	[sflag:s0] =	ssyncset.done @!p0 $0x0  }
0x6b: {  	[sflag:s0] =	ssyncadd.s32 @!p0 s1  }
0x6c: {  	[bflag:$0x3] =	sbarrier.arrive $0xFFFF  }
0x6d: {  	_ =	shalt  }

// kernel: sparse-core-data-format-call.3.cloned.1.call-start
scs
called_computation.3_lowered:
.L_overlay_start_0:
0x0: {  	s1 =	sld [smem:$0x3FD9]  }
0x1: {  	s2 =	sld [smem:$0x3FFE];
	_ =	sdelay $0x1  }
0x2: {  	s3 =	srdreg.scid  }
0x3: {  	s0 =	sand.u32 $0x1, s3  }
0x4: {  	s17 =	sshll.u32 s0, $0xA;
	s1 =	sadd.s32 s2, s1  }
0x5: {  	s1 =	sadd.s32 s1, s17  }
0x6: {  	[smem:$0x3F98] =	sst s1  }
0x7: {  	_ = 	snop  }
0x8: {  	(tm) =	ssettm $0x1  }
0x9: {  	s18 =	sld [smem:$0x3FFB];
	_ =	sdelay $0x3  }
0xa: {  	_ =	strace s18  }
0xb: {  	s1 =	sld [smem:$0x3FFC];
	_ =	sdelay $0x3  }
0xc: {  	_ =	strace s1  }
0xd: {  	s1 =	sld [smem:$0x3FFD];
	_ =	sdelay $0x3  }
0xe: {  	_ =	strace s1  }
0xf: {  	_ =	strace $0x8FFFFFFF  }
0x10: {  	s19 =	sld [smem:$0x3FDB];
	_ =	sdelay $0x1  }
0x11: {  	s20 =	simm.s32 $_scs_section_size  }
0x12: {  	s4 =	simm.s32 $_size__tile_overlayer_lowered;
	s5 =	simm.s32 $_tile_overlayer_lowered  }
0x13: {  	s23 =	simm.s32 $0x1BFF;
	s22 =	sshll.u32 s5, $0x1;
	s1 =	sadd.s32 s20, s19  }
0x14: {  	s6 =	simm.s32 $0x0;
	s21 =	sshll.u32 s4, $0x1;
	s4 =	sadd.s32 s22, s1  }
0x15: {  	[timem:s6], [sflag:s23] =	dma.local [hbm:s4], s21  }
0x16: {  	_ =	swait.ge [sflag:s23], s21  }
0x17: {  	s2 =	ssub.s32 $0x0, s21;
	[sflag:s23] =	ssyncset.done $0x0  }
0x18: {  	[sflag:s23] =	ssyncadd.s32 s2;
	_ =	sdelay $0x1  }
0x19: {  	s24 =	simm.s32 $0x1B8B  }
0x1a: {  	_ =	swait.ge [sflag:s24], $0x1  }
0x1b: {  	[sflag:s24] =	ssyncset.done $0x0  }
0x1c: {  	s26 =	simm.s32 $0x1B8E;
	s25 =	sld [smem:$0x3FFE];
	[sflag:s24] =	ssyncadd.s32 $0xFFFFFFFF  }
0x1d: {  	s27 =	simm.s32 $execute0_lowered;
	[smem:$0x3FD2] =	sst s26  }
0x1e: {  	s4 =	sshll.u32 s27, $0x1;
	_ =	strace $0x80000052;
	[dreg:$0x1] =	wrdreg $0xFFFFFFFF  }
0x1f: {  	s28 =	simm.s32 $_size_execute0_lowered;
	s1 =	sadd.s32 s1, s4;
	[dreg:$0x0] =	wrdreg $0x0  }
0x20: {  	s4 =	sshll.u32 s28, $0x1;
	[dreg:$0x2] =	wrdreg s1  }
0x21: {  	[dreg:$0x3] =	wrdreg s4  }
0x22: {  	[dreg:$0x4] =	wrdreg $0xC0  }
0x23: {  	_ =	task [dreg:s6], $0x5FFFF  }
0x24: {  	[dreg:$0x1] =	wrdreg $0xFFFFFFFF  }
0x25: {  	[dreg:$0x0] =	wrdreg $0x60  }
0x26: {  	[dreg:$0x2] =	wrdreg s25  }
0x27: {  	[dreg:$0x3] =	wrdreg $0x9  }
0x28: {  	_ =	task.clear_ibuf [dreg:s6], $0x4FFFF;
	_ =	strace $0x90000052  }
0x29: {  	s29 =	simm.s32 $0x9;
	_ =	strace $0x80000054  }
0x2a: {  	_ =	swait.ge [sflag:s29], $0x1  }
0x2b: {  	[sflag:s29] =	ssyncadd.s32 $0xFFFFFFFF  }
0x2c: {  	_ =	strace $0x90000054  }
0x2d: {  	_ =	sfence  }
0x2e: {  	s30 =	sld [smem:$0x0];
	_ =	sdelay $0x2  }
0x2f: {  	s31 =	sshll.u32 s3, $0xD;
	s3 =	sshrl.u32 s3, $0x2  }
0x30: {  	s2 =	sand.u32 $0x4000, s31;
	s1 =	sadd.s32 s3, s30  }
0x31: {  	s0 =	sor.u32 s2, s0;
	s1 =	sshll.u32 s1, $0x11  }
0x32: {  	s0 =	sor.u32 s1, s0  }
0x33: {  	s0 =	sadd.s32 $0x8F2B, s0  }
0x34: {  	[sflag:s0] =	ssyncadd.remote.s32 $0x1  }
0x35: {  	_ =	sfence.sel $0xFFFF  }
0x36: {  	[dreg:$0x0] =	wrdreg $0xFFFFFFFF;
	(pc) =	sbr.abs _section_cstart, $3  }
0x37: {  	[dreg:$0x1] =	wrdreg $0xFFFFFFFF  }
0x38: {  	_ =	task.clear_ibuf [dreg:s6], $0x2FFFF;
	_ =	strace $0x9FFFFFFF  }
0x39: {  	(tm) =	ssettm $0x7FFFFFFF  }
tec
execute0_lowered:
.L_overlay_start_1:
0x0: {  	(tag) =	ssettag $0x1  }
0x1: {  	s0 =	srdreg.scid;
	s4 =	rddreg [dreg:$0x0]  }
0x2: {  	s1 =	stileid.u32;
	s5 =	simm.s32 $0x1;
	s7 =	simm.s32 $0x2  }
0x3: {  	s8 =	simm.s32 $0x0;
	p0 =	por $0x0, $0x0;
	s2 =	sshll.u32 s0, $0x4  }
.Ltmp0:
0x4: {  	s11 =	simm.s32 $0x0;
	s3 =	sand.u32 $0x10, s2;
	(pc) =	sbr.rel .LBB1_1-.Ltmp0, $4  }
0x5: {  	s10 =	simm.s32 $0x0;
	s0 =	rddreg [dreg:$0x1];
	s3 =	sor.u32 s1, s3  }
0x6: {  	_ =	strace $0x80000053;
	s2 =	sadd.s32 $0x7E00, s4;
	s6 =	ssub.s32 $0x391, s3  }
0x7: {  	s4 =	sadd.s32 $0x1C0E00, s4;
	[sflag:s5] =	ssyncpa.u1 $0x0;
	s6 =	sshrl.u32 s6, $0x5  }
0x8: {  	[sflag:s7] =	ssyncpa.u1 $0x0;
	s9 =	smov.u32 s3;
	s7 =	sadd.s32 $0x1, s6  }
.LBB1_4:
0x9: {  	[tilespmem:s16+$0x1 ss:$0x81] =	vst.msk $0xffff, v11;
	v7 =	vcombine.high v7, v9;
	v4 =	vperm.xlane.i2c.b16 v4;
	v48 =	vld [tilespmem:s14+$0x430]  }
0xa: {  	[tilespmem:s16+$0x810 ss:$0x81] =	vst.msk $0xffff, v12;
	v49 =	vcombine.low v8, v10;
	v2 =	vperm.xlane.i2c.b16 v2;
	v50 =	vld [tilespmem:s14+$0x440]  }
0xb: {  	v51 =	vcombine.high v8, v10;
	v52 =	vld [tilespmem:s14+$0x450];
	v0 =	vcombine.high v0, v1;
	[tilespmem:s16+$0x811 ss:$0x81] =	vst.msk $0xffff, v7  }
0xc: {  	v5 =	vperm.xlane.i2c.b16 v5;
	v3 =	vperm.xlane.i2c.b16 v3;
	[tilespmem:s16+$0x1020 ss:$0x81] =	vst.msk $0xffff, v49  }
0xd: {  	v54 =	vperm.xlane.i2c.b16 v6;
	v53 =	vcombine.low v4, v2;
	[tilespmem:s12+$0x3061 ss:$0x81] =	vst.msk $0xffff, v0  }
0xe: {  	v2 =	vcombine.high v4, v2;
	v55 =	vcombine.low v5, v3;
	[tilespmem:s16+$0x1021 ss:$0x81] =	vst.msk $0xffff, v51  }
0xf: {  	v57 =	vcombine.high v5, v3;
	[tilespmem:s16+$0x1830 ss:$0x81] =	vst.msk $0xffff, v53;
	v56 =	vperm.xlane.i2c.b16 v48  }
0x10: {  	[tilespmem:s16+$0x2040 ss:$0x81] =	vst.msk $0xffff, v55;
	v58 =	vperm.xlane.i2c.b16 v50;
	v60 =	vperm.xlane.i2c.b16 v52  }
0x11: {  	[tilespmem:s16+$0x1831 ss:$0x81] =	vst.msk $0xffff, v2;
	v59 =	vcombine.low v54, v56  }
0x12: {  	[tilespmem:s16+$0x2041 ss:$0x81] =	vst.msk $0xffff, v57;
	v62 =	vcombine.low v58, v60  }
0x13: {  	v61 =	vcombine.high v54, v56;
	[tilespmem:s16+$0x2850 ss:$0x81] =	vst.msk $0xffff, v59  }
0x14: {  	v63 =	vcombine.high v58, v60;
	[tilespmem:s16+$0x3060 ss:$0x81] =	vst.msk $0xffff, v62  }
0x15: {  	s11 =	sshll.u32 s11, $0xB;
	[tilespmem:s16+$0x2851 ss:$0x81] =	vst.msk $0xffff, v61  }
0x16: {  	s11 =	sadd.s32 s4, s11;
	[tilespmem:s16+$0x3061 ss:$0x81] =	vst.msk $0xffff, v63  }
0x17: {  	[hbm4b:s11+s8] =	stream.linear.scatter [tilespmem:s17], [sflag:$0x2], $0x4000, $0x20;
	[tilespmem:$0x10100] =	vst v63  }
.LBB1_5:
0x18: {  	s13 =	sadd.s32 $0x20, s9  }
0x19: {  	p2 =	sgt.s32 s13, $0x371  }
0x1a: {  	s13 =	smov.u32 @p2 s3;
	p2 =	sne.s32 s10, s7  }
.Ltmp1:
0x1b: {  	p1 =	slt.u32 s10, $0x2;
	(pc) =	sbr.rel @!p2 .LBB1_6-.Ltmp1, $4  }
0x1c: {  	s12 =	simm.s32 @!p1 $0x2  }
0x1d: {  	s14 =	sadd.s32 $0x1, s10;
	_ =	swait.ge @!p1 [sflag:s12], $0x4000  }
0x1e: {  	s11 =	smov.u32 s9;
	p0 =	por !p0, !p0;
	[sflag:s12] =	ssyncset.done @!p1 $0x0  }
0x1f: {  	s10 =	smov.u32 s14;
	s9 =	smov.u32 s13;
	[sflag:s12] =	ssyncadd.s32 @!p1 $0xFFFFC000  }
.LBB1_1:
0x20: {  	p1 =	sge.u32 s10, s6  }
0x21: {  	s12 =	sxor.u32 @!p1 $0xFFFFFFFF, s10  }
0x22: {  	s31 =	sadd.s32 $0xFFFFFFFF, s10;
	s13 =	sshll.u32 @!p1 s9, $0xB;
	s12 =	sshll.u32 @!p1 s12, $0xE  }
0x23: {  	s14 =	simm.s32 @!p1 $0x0;
	s13 =	sadd.s32 @!p1 s2, s13;
	s12 =	sand.u32 @!p1 $0x4000, s12  }
0x24: {  	[tilespmem:s12], [sflag:$0x1] =	stream.linear.gather @!p1 [hbm4b:s13+s14], $0x4000, $0x38;
	[tilespmem:$0x10100] =	vst v63  }
0x25: {  	p1 =	sge.u32 s31, s6  }
.Ltmp2:
0x26: {  	_ = 	snop;
	(pc) =	sbr.rel @p1 .LBB1_5-.Ltmp2, $1  }
0x27: {  	_ =	sdelay $0x3  }
0x28: {  	s16 =	sand.u32 $0x1, s10;
	s12 =	simm.s32 $0x0  }
0x29: {  	_ =	swait.ge [sflag:s5], $0x4000;
	s13 =	sshll.u32 s16, $0xE;
	s14 =	sand.u32 $0x3800, s12  }
0x2a: {  	[sflag:s5] =	ssyncset.done $0x0;
	s12 =	sand.u32 $0x380, s12;
	s14 =	sadd.s32 s14, s13  }
0x2b: {  	[sflag:s5] =	ssyncadd.s32 $0xFFFFC000;
	s17 =	sadd.s32 s12, s14  }
0x2c: {  	v0 =	vld [tilespmem:s17+$0x460]  }
0x2d: {  	v1 =	vld [tilespmem:s17+$0x470]  }
0x2e: {  	v2 =	vld [tilespmem:s17+$0x0]  }
0x2f: {  	v3 =	vld [tilespmem:s17+$0x10]  }
0x30: {  	v4 =	vld [tilespmem:s17+$0x20]  }
0x31: {  	s12 =	simm.s32 $0x1;
	v5 =	vld [tilespmem:s17+$0x30]  }
0x32: {  	s12 =	simm.s32 @!p0 $0x0;
	v6 =	vld [tilespmem:s17+$0x40]  }
0x33: {  	v7 =	vld [tilespmem:s17+$0x50];
	s12 =	smul.u32 $0x10200, s12;
	v1 =	vperm.xlane.i2c.b16 v1;
	v0 =	vperm.xlane.i2c.b16 v0  }
0x34: {  	v8 =	vld [tilespmem:s17+$0x60];
	v2 =	vperm.xlane.i2c.b16 v2;
	v3 =	vperm.xlane.i2c.b16 v3  }
0x35: {  	v10 =	vld [tilespmem:s17+$0x70];
	s12 =	sshrl.u32 s12, $0x2;
	v9 =	vcombine.low v0, v1;
	v0 =	vcombine.high v0, v1  }
0x36: {  	s12 =	sor.u32 $0x8000, s12;
	v1 =	vperm.xlane.i2c.b16 v5;
	v5 =	vld [tilespmem:s17+$0x400];
	v11 =	vcombine.low v2, v3  }
0x37: {  	v4 =	vperm.xlane.i2c.b16 v4;
	v2 =	vcombine.high v2, v3;
	v3 =	vld [tilespmem:s17+$0x410];
	[tilespmem:s12+$0x3870 ss:$0x81] =	vst.msk $0xffff, v9  }
0x38: {  	s30 =	simm.s32 $0x100;
	v6 =	vperm.xlane.i2c.b16 v6;
	v7 =	vperm.xlane.i2c.b16 v7;
	v9 =	vld [tilespmem:s17+$0x420];
	[tilespmem:s12+$0x0 ss:$0x81] =	vst.msk $0xffff, v11  }
0x39: {  	s15 =	simm.s32 $0x80;
	s14 =	sand.u32 $0x3800, s30;
	[tilespmem:s12+$0x3871 ss:$0x81] =	vst.msk $0xffff, v0;
	v0 =	vcombine.low v4, v1;
	v1 =	vcombine.high v4, v1;
	v4 =	vld [tilespmem:s17+$0x430]  }
0x3a: {  	s18 =	sand.u32 $0x380, s15;
	s14 =	sadd.s32 s14, s13;
	[tilespmem:s12+$0x1 ss:$0x81] =	vst.msk $0xffff, v2;
	v2 =	vperm.xlane.i2c.b16 v8;
	v8 =	vperm.xlane.i2c.b16 v10;
	v10 =	vld [tilespmem:s17+$0x440]  }
0x3b: {  	s14 =	sadd.s32 s18, s14;
	[tilespmem:s12+$0x810 ss:$0x81] =	vst.msk $0xffff, v0;
	v0 =	vcombine.low v6, v7;
	v6 =	vcombine.high v6, v7;
	v7 =	vld [tilespmem:s17+$0x450]  }
0x3c: {  	v11 =	vcombine.low v2, v8;
	v2 =	vcombine.high v2, v8;
	v8 =	vld [tilespmem:s14+$0x0];
	[tilespmem:s12+$0x811 ss:$0x81] =	vst.msk $0xffff, v1  }
0x3d: {  	v1 =	vperm.xlane.i2c.b16 v5;
	v5 =	vld [tilespmem:s14+$0x460];
	[tilespmem:s12+$0x1020 ss:$0x81] =	vst.msk $0xffff, v0;
	v0 =	vperm.xlane.i2c.b16 v3  }
0x3e: {  	v3 =	vld [tilespmem:s14+$0x470];
	[tilespmem:s12+$0x1021 ss:$0x81] =	vst.msk $0xffff, v6;
	v6 =	vperm.xlane.i2c.b16 v9  }
0x3f: {  	[tilespmem:s12+$0x1830 ss:$0x81] =	vst.msk $0xffff, v11;
	v11 =	vld [tilespmem:s14+$0x10];
	v4 =	vperm.xlane.i2c.b16 v4;
	v9 =	vcombine.low v1, v0  }
0x40: {  	v12 =	vcombine.high v1, v0;
	v0 =	vperm.xlane.i2c.b16 v10  }
0x41: {  	[tilespmem:s12+$0x1831 ss:$0x81] =	vst.msk $0xffff, v2;
	v2 =	vld [tilespmem:s14+$0x20];
	v10 =	vcombine.low v6, v4;
	v1 =	vperm.xlane.i2c.b16 v7  }
0x42: {  	v4 =	vcombine.high v6, v4;
	v8 =	vperm.xlane.i2c.b16 v8;
	[tilespmem:s12+$0x2040 ss:$0x81] =	vst.msk $0xffff, v9;
	v9 =	vld [tilespmem:s14+$0x30]  }
0x43: {  	v6 =	vld [tilespmem:s14+$0x40];
	v5 =	vperm.xlane.i2c.b16 v5;
	[tilespmem:s12+$0x2041 ss:$0x81] =	vst.msk $0xffff, v12;
	v3 =	vperm.xlane.i2c.b16 v3  }
0x44: {  	[tilespmem:s12+$0x2850 ss:$0x81] =	vst.msk $0xffff, v10;
	v10 =	vld [tilespmem:s14+$0x50];
	v12 =	vcombine.low v0, v1;
	v11 =	vperm.xlane.i2c.b16 v11  }
0x45: {  	[tilespmem:s12+$0x2851 ss:$0x81] =	vst.msk $0xffff, v4;
	v4 =	vld [tilespmem:s14+$0x60];
	v13 =	vcombine.low v5, v3  }
0x46: {  	s31 =	smul.u32 $0x10200, s16;
	s16 =	sadd.s32 $0x2, s12;
	v7 =	vperm.xlane.i2c.b16 v2;
	v2 =	vld [tilespmem:s14+$0x70];
	[tilespmem:s12+$0x3060 ss:$0x81] =	vst.msk $0xffff, v12;
	v12 =	vcombine.low v8, v11  }
0x47: {  	v14 =	vcombine.high v5, v3;
	v5 =	vld [tilespmem:s14+$0x400];
	v9 =	vperm.xlane.i2c.b16 v9;
	[tilespmem:s16+$0x3870 ss:$0x81] =	vst.msk $0xffff, v13  }
0x48: {  	s17 =	sshrl.u32 s31, $0x2;
	v11 =	vcombine.high v8, v11;
	v3 =	vld [tilespmem:s14+$0x410];
	v8 =	vperm.xlane.i2c.b16 v6;
	[tilespmem:s16+$0x0 ss:$0x81] =	vst.msk $0xffff, v12  }
0x49: {  	s19 =	simm.s32 $0x200;
	s18 =	simm.s32 $0x2;
	s17 =	sor.u32 $0x8000, s17;
	v6 =	vld [tilespmem:s14+$0x420];
	[tilespmem:s16+$0x3871 ss:$0x81] =	vst.msk $0xffff, v14;
	v10 =	vperm.xlane.i2c.b16 v10;
	v12 =	vcombine.low v7, v9  }
.LBB1_3:
0x4a: {  	s20 =	sand.u32 $0x3800, s19;
	[tilespmem:s16+$0x1 ss:$0x81] =	vst.msk $0xffff, v11;
	v7 =	vcombine.high v7, v9;
	v4 =	vperm.xlane.i2c.b16 v4;
	v9 =	vld [tilespmem:s14+$0x430];
	s15 =	sadd.s32 $0x80, s15  }
0x4b: {  	v11 =	vcombine.low v8, v10;
	v2 =	vperm.xlane.i2c.b16 v2;
	s21 =	sand.u32 $0x380, s15;
	s20 =	sadd.s32 s20, s13;
	[tilespmem:s16+$0x810 ss:$0x81] =	vst.msk $0xffff, v12;
	v12 =	vld [tilespmem:s14+$0x440]  }
0x4c: {  	s18 =	sadd.s32 $0x2, s18;
	v5 =	vperm.xlane.i2c.b16 v5;
	[tilespmem:s16+$0x811 ss:$0x81] =	vst.msk $0xffff, v7;
	v7 =	vcombine.high v8, v10;
	v8 =	vld [tilespmem:s14+$0x450];
	s14 =	sadd.s32 s21, s20  }
0x4d: {  	v3 =	vperm.xlane.i2c.b16 v3;
	p1 =	slt.u32 s18, $0x7E;
	v10 =	vld [tilespmem:s14+$0x460];
	[tilespmem:s16+$0x1020 ss:$0x81] =	vst.msk $0xffff, v11;
	v11 =	vcombine.low v4, v2  }
0x4e: {  	v2 =	vcombine.high v4, v2;
	v4 =	vperm.xlane.i2c.b16 v6;
	v13 =	vld [tilespmem:s14+$0x470];
	[tilespmem:s16+$0x1021 ss:$0x81] =	vst.msk $0xffff, v7  }
0x4f: {  	v7 =	vcombine.low v5, v3;
	v6 =	vld [tilespmem:s14+$0x0];
	[tilespmem:s16+$0x1830 ss:$0x81] =	vst.msk $0xffff, v11;
	v9 =	vperm.xlane.i2c.b16 v9  }
0x50: {  	v11 =	vld [tilespmem:s14+$0x10];
	[tilespmem:s16+$0x1831 ss:$0x81] =	vst.msk $0xffff, v2;
	v2 =	vcombine.high v5, v3;
	v3 =	vperm.xlane.i2c.b16 v12  }
0x51: {  	v5 =	vld [tilespmem:s14+$0x20];
	[tilespmem:s16+$0x2040 ss:$0x81] =	vst.msk $0xffff, v7;
	v7 =	vcombine.low v4, v9;
	v8 =	vperm.xlane.i2c.b16 v8  }
0x52: {  	v12 =	vld [tilespmem:s14+$0x30];
	[tilespmem:s16+$0x2041 ss:$0x81] =	vst.msk $0xffff, v2;
	v2 =	vcombine.high v4, v9;
	v9 =	vcombine.high v0, v1;
	v0 =	vmov v3  }
0x53: {  	v10 =	vperm.xlane.i2c.b16 v10;
	v3 =	vld [tilespmem:s14+$0x40];
	v13 =	vperm.xlane.i2c.b16 v13;
	[tilespmem:s16+$0x2850 ss:$0x81] =	vst.msk $0xffff, v7;
	v1 =	vmov v8  }
0x54: {  	v6 =	vperm.xlane.i2c.b16 v6;
	v14 =	vld [tilespmem:s14+$0x50];
	[tilespmem:s16+$0x2851 ss:$0x81] =	vst.msk $0xffff, v2;
	v8 =	vcombine.low v0, v1  }
.Ltmp3:
0x55: {  	v11 =	vperm.xlane.i2c.b16 v11;
	v4 =	vld [tilespmem:s14+$0x60];
	v15 =	vcombine.low v10, v13;
	[tilespmem:s12+$0x3061 ss:$0x81] =	vst.msk $0xffff, v9;
	s12 =	smov.u32 s16;
	(pc) =	sbr.rel @p1 .LBB1_3-.Ltmp3, $4  }
0x56: {  	v10 =	vcombine.high v10, v13;
	s16 =	sadd.s32 $0x2, s16;
	v7 =	vperm.xlane.i2c.b16 v5;
	v2 =	vld [tilespmem:s14+$0x70];
	[tilespmem:s12+$0x3060 ss:$0x81] =	vst.msk $0xffff, v8  }
0x57: {  	v13 =	vcombine.low v6, v11;
	v9 =	vperm.xlane.i2c.b16 v12;
	v5 =	vld [tilespmem:s14+$0x400];
	[tilespmem:s16+$0x3870 ss:$0x81] =	vst.msk $0xffff, v15  }
0x58: {  	v11 =	vcombine.high v6, v11;
	v8 =	vperm.xlane.i2c.b16 v3;
	v3 =	vld [tilespmem:s14+$0x410];
	[tilespmem:s16+$0x3871 ss:$0x81] =	vst.msk $0xffff, v10  }
0x59: {  	s19 =	sadd.s32 $0x100, s19;
	[tilespmem:s16+$0x0 ss:$0x81] =	vst.msk $0xffff, v13;
	v12 =	vcombine.low v7, v9;
	v10 =	vperm.xlane.i2c.b16 v14;
	v6 =	vld [tilespmem:s14+$0x420]  }
.Ltmp4:
0x5a: {  	_ = 	snop;
	(pc) =	sbr.rel .LBB1_4-.Ltmp4, $1  }
0x5b: {  	_ =	sdelay $0x3  }
.LBB1_6:
0x5c: {  	_ =	sfence.sel $0x180000  }
0x5d: {  	s2 =	simm.s32 $0x1;
	[bflag:$0x0] =	sbarrier.arrive $0xFFFF  }
0x5e: {  	s31 =	simm.s32 $0x2;
	[sflag:s2] =	ssyncpa.u1 $0x1  }
0x5f: {  	[sflag:s31] =	ssyncpa.u1 $0x1  }
0x60: {  	p0 =	sne.s32 s1, $0x0;
	_ =	strace $0x90000053  }
0x61: {  	s0 =	sadd.s32 @!p0 $0x100000, s0;
	[bflag:$0x2] =	sbarrier.arrive $0xFFFF  }
0x62: {  	[sflag:s0] =	ssyncadd.tile.s32 @!p0 $0x1;
	_ =	shalt  }
.Lfunc_end1:
_tile_overlayer_lowered:
.L_overlay_start_2:
0x63: {  	(tag) =	ssettag $0x2  }
0x64: {  	s0 =	rddreg [dreg:$0x0];
	s2 =	stileid.u32  }
0x65: {  	s1 =	rddreg [dreg:$0x1];
	p0 =	sne.s32 s2, $0x0  }
0x66: {  	s3 =	rddreg [dreg:$0x2];
	[bflag:$0x3] =	sbarrier.arrive $0xFFFF;
	s2 =	simm.s32 @!p0 $0x1C01  }
0x67: {  	[timem:s3], [sflag:s2] =	dma.local @!p0 [hbm:s0], s1  }
0x68: {  	s0 =	simm.s32 @!p0 $0x1  }
0x69: {  	_ =	swait.ge @!p0 [sflag:s0], s1  }
0x6a: {  	s1 =	ssub.s32 @!p0 $0x0, s1;
	[sflag:s0] =	ssyncset.done @!p0 $0x0  }
0x6b: {  	[sflag:s0] =	ssyncadd.s32 @!p0 s1  }
0x6c: {  	[bflag:$0x3] =	sbarrier.arrive $0xFFFF  }
0x6d: {  	_ =	shalt  }

// kernel: sparse-core-data-format-call.cloned.1.call-start
scs
called_computation_lowered:
.L_overlay_start_0:
0x0: {  	s2 =	sld [smem:$0x3FD9]  }
0x1: {  	s3 =	sld [smem:$0x3FFE];
	_ =	sdelay $0x1  }
0x2: {  	s1 =	srdreg.scid  }
0x3: {  	s0 =	sand.u32 $0x1, s1  }
0x4: {  	s18 =	sshll.u32 s0, $0xA;
	s2 =	sadd.s32 s3, s2  }
0x5: {  	s2 =	sadd.s32 s2, s18  }
0x6: {  	[smem:$0x3F98] =	sst s2  }
0x7: {  	_ = 	snop  }
0x8: {  	s19 =	sld [smem:$0x3FA5];
	(tm) =	ssettm $0x1  }
0x9: {  	s20 =	sld [smem:$0x3FFB];
	_ =	sdelay $0x3  }
0xa: {  	_ =	strace s20  }
0xb: {  	s2 =	sld [smem:$0x3FFC];
	_ =	sdelay $0x3  }
0xc: {  	_ =	strace s2  }
0xd: {  	s2 =	sld [smem:$0x3FFD];
	_ =	sdelay $0x3  }
0xe: {  	_ =	strace s2  }
0xf: {  	_ =	strace $0x8FFFFFFF  }
0x10: {  	s21 =	sld [smem:$0x3FDB];
	_ =	sdelay $0x1  }
0x11: {  	s4 =	simm.s32 $_scs_section_size  }
0x12: {  	s5 =	simm.s32 $_size__tile_overlayer_lowered;
	s6 =	simm.s32 $_tile_overlayer_lowered  }
0x13: {  	s7 =	simm.s32 $0x1BFF;
	s22 =	sshll.u32 s6, $0x1;
	s4 =	sadd.s32 s4, s21  }
0x14: {  	s23 =	simm.s32 $0x0;
	s5 =	sshll.u32 s5, $0x1;
	s6 =	sadd.s32 s22, s4  }
0x15: {  	[timem:s23], [sflag:s7] =	dma.local [hbm:s6], s5  }
0x16: {  	_ =	swait.ge [sflag:s7], s5  }
0x17: {  	s5 =	ssub.s32 $0x0, s5;
	[sflag:s7] =	ssyncset.done $0x0  }
0x18: {  	[sflag:s7] =	ssyncadd.s32 s5;
	_ =	sdelay $0x1  }
0x19: {  	s24 =	simm.s32 $0x1B8B  }
0x1a: {  	_ =	swait.ge [sflag:s24], $0x1  }
0x1b: {  	[sflag:s24] =	ssyncset.done $0x0  }
0x1c: {  	[sflag:s24] =	ssyncadd.s32 $0xFFFFFFFF  }
0x1d: {  	s5 =	sld [smem:$0x0]  }
0x1e: {  	s6 =	sand.u32 $0xFFFFFFFE, s1  }
0x1f: {  	p0 =	sne.s32 s1, s6  }
0x20: {  	s6 =	sshll.u32 @p0 s6, $0xE  }
0x21: {  	s6 =	sadd.s32 @p0 $0x11B8D, s6;
	s7 =	sshll.u32 @p0 s5, $0x11  }
0x22: {  	s6 =	sor.u32 @p0 s7, s6  }
0x23: {  	[sflag:s6] =	ssyncadd.remote.s32 @p0 $0x1;
	_ =	sdelay $0x1  }
0x24: {  	s6 =	simm.s32 @p0 $0x1B8D  }
0x25: {  	_ =	swait.eq @p0 [sflag:s6], $0x1  }
0x26: {  	[sflag:s6] =	ssyncadd.s32 @p0 $0xFFFFFFFF  }
0x27: {  	s7 =	sshll.u32 @!p0 s1, $0xE  }
0x28: {  	s7 =	sor.u32 @!p0 $0x4000, s7;
	s6 =	simm.s32 @!p0 $0x1B8D  }
0x29: {  	s5 =	sshll.u32 @!p0 s5, $0x11;
	s7 =	sadd.s32 @!p0 $0x11B8D, s7;
	_ =	swait.eq @!p0 [sflag:s6], $0x1  }
0x2a: {  	s5 =	sor.u32 @!p0 s5, s7;
	[sflag:s6] =	ssyncadd.s32 @!p0 $0xFFFFFFFF  }
0x2b: {  	s26 =	simm.s32 $0x1B8E;
	s25 =	sld [smem:$0x3FFE];
	[sflag:s5] =	ssyncadd.remote.s32 @!p0 $0x1  }
0x2c: {  	s27 =	simm.s32 $execute0_lowered;
	[smem:$0x3FD2] =	sst s26  }
0x2d: {  	s6 =	sshll.u32 s27, $0x1;
	_ =	strace $0x80000058;
	[dreg:$0x1] =	wrdreg $0xFFFFFFFF  }
0x2e: {  	s28 =	simm.s32 $_size_execute0_lowered;
	s4 =	sadd.s32 s4, s6;
	[dreg:$0x0] =	wrdreg $0x0  }
0x2f: {  	s6 =	sshll.u32 s28, $0x1;
	[dreg:$0x2] =	wrdreg s4  }
0x30: {  	[dreg:$0x3] =	wrdreg s6  }
0x31: {  	[dreg:$0x4] =	wrdreg $0xC0  }
0x32: {  	_ =	task [dreg:s23], $0x5FFFF  }
0x33: {  	[dreg:$0x1] =	wrdreg $0xFFFFFFFF  }
0x34: {  	[dreg:$0x0] =	wrdreg $0x60  }
0x35: {  	[dreg:$0x2] =	wrdreg s19  }
0x36: {  	[dreg:$0x3] =	wrdreg s25  }
0x37: {  	[dreg:$0x4] =	wrdreg $0x9  }
0x38: {  	_ =	task.clear_ibuf [dreg:s23], $0x5FFFF;
	_ =	strace $0x90000058  }
0x39: {  	s29 =	simm.s32 $0x9;
	_ =	strace $0x8000005A  }
0x3a: {  	_ =	swait.ge [sflag:s29], $0x1  }
0x3b: {  	[sflag:s29] =	ssyncadd.s32 $0xFFFFFFFF  }
0x3c: {  	_ =	strace $0x9000005A  }
0x3d: {  	_ =	sfence  }
0x3e: {  	s30 =	sld [smem:$0x0];
	_ =	sdelay $0x2  }
0x3f: {  	s31 =	sshll.u32 s1, $0xD;
	s1 =	sshrl.u32 s1, $0x2  }
0x40: {  	s4 =	sand.u32 $0x4000, s31;
	s1 =	sadd.s32 s1, s30  }
0x41: {  	s0 =	sor.u32 s4, s0;
	s1 =	sshll.u32 s1, $0x11  }
0x42: {  	s0 =	sor.u32 s1, s0  }
0x43: {  	s0 =	sadd.s32 $0x8F2B, s0  }
0x44: {  	[sflag:s0] =	ssyncadd.remote.s32 $0x1  }
0x45: {  	_ =	sfence.sel $0xFFFF  }
0x46: {  	[dreg:$0x0] =	wrdreg $0xFFFFFFFF;
	(pc) =	sbr.abs _section_cstart, $3  }
0x47: {  	[dreg:$0x1] =	wrdreg $0xFFFFFFFF  }
0x48: {  	_ =	task.clear_ibuf [dreg:s23], $0x2FFFF;
	_ =	strace $0x9FFFFFFF  }
0x49: {  	(tm) =	ssettm $0x7FFFFFFF  }
tec
execute0_lowered:
.L_overlay_start_1:
0x0: {  	(tag) =	ssettag $0x1  }
0x1: {  	s0 =	srdreg.scid;
	s2 =	rddreg [dreg:$0x0]  }
0x2: {  	s5 =	rddreg [dreg:$0x1];
	s7 =	simm.s32 $0x1;
	s1 =	sshll.u32 s0, $0x4  }
0x3: {  	s8 =	simm.s32 $0x2;
	s0 =	stileid.u32;
	s1 =	sand.u32 $0x10, s1  }
0x4: {  	s14 =	simm.s32 $0x0;
	s9 =	simm.s32 $0x0;
	s1 =	sor.u32 s0, s1  }
0x5: {  	s15 =	simm.s32 $0x0;
	s16 =	simm.s32 $0x0;
	s3 =	sshll.u32 s1, $0x3  }
0x6: {  	s10 =	simm.s32 $0x0;
	s11 =	simm.s32 $0x0;
	s6 =	ssub.s32 $0x100, s3  }
0x7: {  	s13 =	simm.s32 $0x0;
	s22 =	simm.s32 $0x0;
	s4 =	sand.u32 $0xF8, s6  }
.Ltmp0:
0x8: {  	s5 =	sadd.s32 $0x6E2E00, s5;
	p0 =	sne.s32 s4, $0x0;
	(pc) =	sbr.rel .LBB1_1-.Ltmp0, $4  }
0x9: {  	s1 =	rddreg [dreg:$0x2];
	s6 =	sshrl.u32 s6, $0x8;
	s7 =	simm.s32 @!p0 $0x0  }
0xa: {  	_ =	strace $0x80000059;
	s4 =	simm.s32 $0x1;
	s6 =	sadd.s32 s7, s6  }
0xb: {  	s12 =	smov.u32 s3;
	[sflag:s4] =	ssyncpa.u1 $0x0;
	s6 =	sshll.u32 s6, $0x4  }
0xc: {  	[sflag:s8] =	ssyncpa.u1 $0x0;
	s8 =	simm.s32 $0x80000;
	s7 =	sor.u32 $0x1, s6  }
.LBB1_7:
0xd: {  	s17 =	sadd.s32 $0x100, s10  }
0xe: {  	s14 =	sadd.s32 $0x8, s11;
	s18 =	smov.u32 s11;
	p1 =	sgt.s32 s17, $0x7FF  }
0xf: {  	s18 =	smov.u32 @p1 s14  }
0x10: {  	s20 =	smov.u32 s12;
	s14 =	sadd.s32 $0x100, s12;
	p2 =	sgt.s32 s18, $0xF  }
0x11: {  	s20 =	smov.u32 @p2 s14  }
0x12: {  	s17 =	simm.s32 @p1 $0x0;
	p1 =	sgt.s32 s20, $0xFF  }
0x13: {  	p0 =	slt.u32 s13, $0x2;
	s20 =	smov.u32 @p1 s3;
	p1 =	sne.s32 s13, s7  }
.Ltmp1:
0x14: {  	s19 =	simm.s32 @!p0 $0x2;
	(pc) =	sbr.rel @!p1 .LBB1_8-.Ltmp1, $4  }
0x15: {  	s15 =	smov.u32 s11;
	s16 =	smov.u32 s12;
	_ =	swait.ge @!p0 [sflag:s19], $0x4000  }
0x16: {  	s9 =	sadd.s32 $0x4000, s9;
	[sflag:s19] =	ssyncset.done @!p0 $0x0;
	s18 =	simm.s32 @p2 $0x0  }
0x17: {  	s14 =	smov.u32 s10;
	[sflag:s19] =	ssyncadd.s32 @!p0 $0xFFFFC000;
	s10 =	smov.u32 s17  }
0x18: {  	s11 =	smov.u32 s18;
	s13 =	sadd.s32 $0x1, s13;
	s12 =	smov.u32 s20  }
.LBB1_1:
0x19: {  	p0 =	sge.u32 s13, s6;
	s31 =	sadd.s32 $0xFFFFFFFF, s13  }
0x1a: {  	s17 =	sxor.u32 @!p0 $0xFFFFFFFF, s13;
	s18 =	sand.u32 @!p0 $0x78, s10;
	s19 =	sshll.u32 @!p0 s11, $0xB  }
0x1b: {  	s20 =	sshll.u32 @!p0 s11, $0x7;
	s21 =	sshll.u32 @!p0 s10, $0x3;
	s17 =	sshll.u32 @!p0 s17, $0xE  }
0x1c: {  	s19 =	sand.u32 @!p0 $0x4000, s19;
	s20 =	sand.u32 @!p0 $0x380, s20;
	s17 =	sand.u32 @!p0 $0x4000, s17  }
0x1d: {  	s19 =	sadd.s32 @!p0 s19, s21;
	s21 =	sand.u32 @!p0 $0x400, s21;
	s18 =	sor.u32 @!p0 s20, s18  }
0x1e: {  	s20 =	sshll.u32 @!p0 s12, $0xC;
	s18 =	sor.u32 @!p0 s21, s18;
	s19 =	sshrl.u32 @!p0 s19, $0x3  }
0x1f: {  	s20 =	sadd.s32 @!p0 s2, s20;
	s21 =	sand.u32 @!p0 $0x7, s10;
	s19 =	sand.u32 @!p0 $0xF00, s19  }
0x20: {  	s18 =	sshrl.u32 @!p0 s18, $0x3;
	s19 =	sadd.s32 @!p0 s19, s20;
	s20 =	sshll.u32 @!p0 s21, $0x12  }
0x21: {  	s18 =	sadd.s32 @!p0 s18, s19;
	s19 =	sor.u32 @!p0 $0x800, s20;
	s20 =	simm.s32 @!p0 $0x8000  }
0x22: {  	[tilespmem:s17], [sflag:$0x1] =	stream.strided.gather @!p0 [hbm4b:s18+s19], $0x4000, s20, s19, $0x38;
	[tilespmem:$0x10000] =	vst v63  }
0x23: {  	p0 =	sge.u32 s31, s6  }
.Ltmp2:
0x24: {  	_ = 	snop;
	(pc) =	sbr.rel @p0 .LBB1_7-.Ltmp2, $1  }
0x25: {  	_ =	sdelay $0x3  }
0x26: {  	s17 =	sshll.u32 s9, $0x2;
	_ =	swait.ge [sflag:s4], $0x4000;
	s31 =	sshll.u32 s13, $0xE  }
0x27: {  	p0 =	por $0x0, $0x0;
	s23 =	simm.s32 $0x0;
	s24 =	simm.s32 $0x0  }
0x28: {  	s17 =	sand.u32 $0x10000, s17;
	[sflag:s4] =	ssyncset.done $0x0;
	s20 =	sand.u32 $0x4000, s31  }
0x29: {  	s21 =	sshrl.u32 s17, $0x2;
	[sflag:s4] =	ssyncadd.s32 $0xFFFFC000;
	s17 =	sor.u32 $0x8000, s20  }
0x2a: {  	s18 =	sor.u32 $0x40, s21;
	s19 =	sor.u32 $0x8410, s21;
	s21 =	sadd.s32 $0x8400, s21  }
.LBB1_3:
0x2b: {  	v1 =	vld [tilespmem:s18+$0xFFFFFFD0]  }
0x2c: {  	v2 =	vld [tilespmem:s18+$0x430]  }
0x2d: {  	s25 =	sshll.u32 s24, $0xB;
	v4 =	vld [tilespmem:s18+$0xFFFFFFE0]  }
0x2e: {  	v7 =	vld [tilespmem:s18+$0xFFFFFFF0];
	v0 =	vmov s25  }
0x2f: {  	v8 =	vld [tilespmem:s18+$0x0]  }
0x30: {  	s31 =	sand.u32 $0x300, s22;
	v9 =	vld [tilespmem:s18+$0x10]  }
0x31: {  	s26 =	sand.u32 $0x80, s22;
	v10 =	vld [tilespmem:s18+$0x20];
	s25 =	sadd.s32 s31, s20  }
0x32: {  	v11 =	vld [tilespmem:s18+$0x30];
	s25 =	sadd.s32 s26, s25;
	s26 =	simm.s32 $0x1;
	[tilespmem:s19+$0x60] =	vst v2  }
0x33: {  	s31 =	sshll.u32 s23, $0x2;
	s26 =	simm.s32 @!p0 $0x0;
	[tilespmem:s19+$0xFFFFFC00] =	vst v1;
	v3 =	vld.idx.msk [tilespmem:v0+s25+$0x400 ss:$0x1], $0xffff  }
0x34: {  	v6 =	vld [tilespmem:s18+$0x3D0];
	s26 =	sshll.u32 s26, $0x9;
	[tilespmem:s19+$0xFFFFFC10] =	vst v4;
	s25 =	sand.u32 $0xFFFFFC00, s31  }
0x35: {  	v5 =	vld [tilespmem:s18+$0x3E0];
	[tilespmem:s19+$0xFFFFFC20] =	vst v7;
	s25 =	sor.u32 s26, s25  }
0x36: {  	[tilespmem:s19+$0xFFFFFC30] =	vst v8;
	v4 =	vld [tilespmem:s18+$0x400];
	s25 =	sshrl.u32 s25, $0x2  }
0x37: {  	[tilespmem:s19+$0xFFFFFC40] =	vst v9;
	v1 =	vld [tilespmem:s18+$0x410];
	s25 =	sadd.s32 s25, s21  }
0x38: {  	[tilespmem:s25+$0x0] =	vst v3;
	v3 =	vld [tilespmem:s18+$0x3F0]  }
0x39: {  	s29 =	simm.s32 $0x80;
	s28 =	simm.s32 $0x100;
	[tilespmem:s19+$0xFFFFFC50] =	vst v10;
	v2 =	vld [tilespmem:s18+$0x420]  }
0x3a: {  	s27 =	smov.u32 s19;
	s30 =	sand.u32 $0x300, s29;
	v7 =	vld [tilespmem:s18+$0xFFFFFFC0];
	[tilespmem:s19+$0xFFFFFC60] =	vst v11;
	s26 =	sadd.s32 $0x80, s18  }
.LBB1_4:
0x3b: {  	p1 =	sne.s32 s28, $0x380;
	v8 =	vld [tilespmem:s26+$0xFFFFFFD0];
	s29 =	sand.u32 $0x80, s29;
	s30 =	sadd.s32 s30, s20;
	[tilespmem:s27+$0x0] =	vst v6  }
0x3c: {  	s30 =	sadd.s32 s29, s30;
	v6 =	vld [tilespmem:s26+$0x430];
	[tilespmem:s27+$0x10] =	vst v5;
	s29 =	smov.u32 s28  }
0x3d: {  	v5 =	vld.idx.msk [tilespmem:v0+s30+$0x400 ss:$0x1], $0xffff;
	[tilespmem:s27+$0x20] =	vst v3  }
0x3e: {  	v3 =	vld [tilespmem:s26+$0xFFFFFFE0];
	[tilespmem:s27+$0x30] =	vst v4  }
0x3f: {  	v4 =	vld [tilespmem:s26+$0xFFFFFFF0];
	[tilespmem:s27+$0xFFFFFBF0] =	vst v7  }
0x40: {  	v7 =	vld [tilespmem:s26+$0x0];
	[tilespmem:s27+$0x40] =	vst v1  }
0x41: {  	v1 =	vld [tilespmem:s26+$0x10];
	[tilespmem:s27+$0x50] =	vst v2;
	s27 =	sadd.s32 $0x800, s27  }
0x42: {  	s25 =	sadd.s32 $0x800, s25;
	v2 =	vld [tilespmem:s26+$0x20];
	[tilespmem:s27+$0x60] =	vst v6  }
0x43: {  	v9 =	vld [tilespmem:s26+$0x30];
	[tilespmem:s25+$0x0] =	vst v5  }
0x44: {  	[tilespmem:s27+$0xFFFFFC00] =	vst v8;
	v6 =	vld [tilespmem:s26+$0x3D0]  }
0x45: {  	[tilespmem:s27+$0xFFFFFC10] =	vst v3;
	v5 =	vld [tilespmem:s26+$0x3E0]  }
.Ltmp3:
0x46: {  	[tilespmem:s27+$0xFFFFFC20] =	vst v4;
	v3 =	vld [tilespmem:s26+$0x3F0];
	(pc) =	sbr.rel @p1 .LBB1_4-.Ltmp3, $4  }
0x47: {  	[tilespmem:s27+$0xFFFFFC30] =	vst v7;
	v4 =	vld [tilespmem:s26+$0x400]  }
0x48: {  	[tilespmem:s27+$0xFFFFFC40] =	vst v1;
	v1 =	vld [tilespmem:s26+$0x410]  }
0x49: {  	[tilespmem:s27+$0xFFFFFC50] =	vst v2;
	v2 =	vld [tilespmem:s26+$0x420]  }
0x4a: {  	s28 =	sadd.s32 $0x80, s28;
	s30 =	sand.u32 $0x300, s29;
	v7 =	vld [tilespmem:s26+$0xFFFFFFC0];
	[tilespmem:s27+$0xFFFFFC60] =	vst v9;
	s26 =	sadd.s32 $0x80, s26  }
0x4b: {  	[tilespmem:s27+$0x0] =	vst v6  }
0x4c: {  	[tilespmem:s27+$0x10] =	vst v5  }
0x4d: {  	v49 =	vld [tilespmem:s26+$0x430];
	[tilespmem:s27+$0x20] =	vst v3  }
0x4e: {  	v50 =	vld [tilespmem:s26+$0xFFFFFFD0];
	[tilespmem:s27+$0x30] =	vst v4  }
0x4f: {  	v51 =	vld [tilespmem:s26+$0xFFFFFFE0];
	[tilespmem:s27+$0x40] =	vst v1  }
0x50: {  	v52 =	vld [tilespmem:s26+$0xFFFFFFF0];
	[tilespmem:s27+$0x50] =	vst v2  }
0x51: {  	s31 =	sadd.s32 $0x800, s27;
	v53 =	vld [tilespmem:s26+$0x0];
	[tilespmem:s27+$0xFFFFFBF0] =	vst v7  }
0x52: {  	v54 =	vld [tilespmem:s26+$0x10];
	[tilespmem:s31+$0x60] =	vst v49  }
0x53: {  	v55 =	vld [tilespmem:s26+$0x20];
	[tilespmem:s31+$0xFFFFFC00] =	vst v50  }
0x54: {  	v56 =	vld [tilespmem:s26+$0x30];
	[tilespmem:s31+$0xFFFFFC10] =	vst v51  }
0x55: {  	v57 =	vld [tilespmem:s26+$0x3D0];
	[tilespmem:s31+$0xFFFFFC20] =	vst v52  }
0x56: {  	v58 =	vld [tilespmem:s26+$0x3E0];
	[tilespmem:s31+$0xFFFFFC30] =	vst v53  }
0x57: {  	v59 =	vld [tilespmem:s26+$0x3F0];
	[tilespmem:s31+$0xFFFFFC40] =	vst v54  }
0x58: {  	v60 =	vld [tilespmem:s26+$0x400];
	[tilespmem:s31+$0xFFFFFC50] =	vst v55  }
0x59: {  	v61 =	vld [tilespmem:s26+$0xFFFFFFC0];
	[tilespmem:s31+$0xFFFFFC60] =	vst v56  }
0x5a: {  	s28 =	sand.u32 $0x80, s29;
	s30 =	sadd.s32 s30, s20;
	v62 =	vld [tilespmem:s26+$0x410];
	[tilespmem:s31+$0x0] =	vst v57  }
0x5b: {  	v63 =	vld [tilespmem:s26+$0x420];
	s24 =	sadd.s32 $0x1, s24;
	s28 =	sadd.s32 s28, s30;
	[tilespmem:s31+$0x10] =	vst v58  }
0x5c: {  	p1 =	sne.s32 s24, $0x8;
	v0 =	vld.idx.msk [tilespmem:v0+s28+$0x400 ss:$0x1], $0xffff;
	[tilespmem:s31+$0x20] =	vst v59  }
.Ltmp4:
0x5d: {  	[tilespmem:s31+$0x30] =	vst v60;
	(pc) =	sbr.rel @p1 .LBB1_3-.Ltmp4, $4  }
0x5e: {  	[tilespmem:s31+$0xFFFFFBF0] =	vst v61  }
0x5f: {  	[tilespmem:s31+$0x40] =	vst v62  }
0x60: {  	s25 =	sadd.s32 $0x800, s25;
	s18 =	sadd.s32 $0x800, s18;
	[tilespmem:s31+$0x50] =	vst v63  }
0x61: {  	s23 =	sadd.s32 $0x80, s23;
	p0 =	por !p0, !p0;
	s19 =	sadd.s32 $0x80, s19;
	[tilespmem:s25+$0x0] =	vst v0  }
0x62: {  	s18 =	sand.u32 $0x78, s14  }
0x63: {  	s19 =	sshll.u32 s16, $0xB;
	s29 =	sshll.u32 s16, $0x7;
	s20 =	sshll.u32 s14, $0x3  }
0x64: {  	s15 =	sshll.u32 s15, $0x10;
	s31 =	sand.u32 $0x7, s14;
	s19 =	sand.u32 $0x7C000, s19  }
0x65: {  	s16 =	sand.u32 $0x380, s29;
	s19 =	sadd.s32 s19, s20;
	s20 =	sand.u32 $0x400, s20  }
.Ltmp5:
0x66: {  	s16 =	sor.u32 s16, s18;
	s30 =	sshrl.u32 s19, $0x3;
	(pc) =	sbr.rel .LBB1_7-.Ltmp5, $4  }
0x67: {  	s15 =	sadd.s32 s5, s15;
	s16 =	sor.u32 s20, s16;
	s18 =	sand.u32 $0xFF00, s30  }
0x68: {  	s14 =	sshll.u32 s31, $0x12;
	s16 =	sshrl.u32 s16, $0x3;
	s15 =	sadd.s32 s18, s15  }
0x69: {  	s14 =	sor.u32 $0x800, s14;
	s15 =	sadd.s32 s16, s15  }
0x6a: {  	[hbm4b:s15+s14] =	stream.strided.scatter [tilespmem:s17], [sflag:$0x2], $0x4000, s8, s14, $0x38;
	[tilespmem:$0x10000] =	vst v63  }
.LBB1_8:
0x6b: {  	_ =	sfence.sel $0x180000  }
0x6c: {  	s2 =	simm.s32 $0x1;
	[bflag:$0x0] =	sbarrier.arrive $0xFFFF  }
0x6d: {  	s31 =	simm.s32 $0x2;
	[sflag:s2] =	ssyncpa.u1 $0x1  }
0x6e: {  	[sflag:s31] =	ssyncpa.u1 $0x1  }
0x6f: {  	p0 =	sne.s32 s0, $0x0;
	_ =	strace $0x90000059  }
0x70: {  	s0 =	sadd.s32 @!p0 $0x100000, s1;
	[bflag:$0x2] =	sbarrier.arrive $0xFFFF  }
0x71: {  	[sflag:s0] =	ssyncadd.tile.s32 @!p0 $0x1;
	_ =	shalt  }
.Lfunc_end1:
_tile_overlayer_lowered:
.L_overlay_start_2:
0x72: {  	(tag) =	ssettag $0x2  }
0x73: {  	s0 =	rddreg [dreg:$0x0];
	s2 =	stileid.u32  }
0x74: {  	s1 =	rddreg [dreg:$0x1];
	p0 =	sne.s32 s2, $0x0  }
0x75: {  	s3 =	rddreg [dreg:$0x2];
	[bflag:$0x3] =	sbarrier.arrive $0xFFFF;
	s2 =	simm.s32 @!p0 $0x1C01  }
0x76: {  	[timem:s3], [sflag:s2] =	dma.local @!p0 [hbm:s0], s1  }
0x77: {  	s0 =	simm.s32 @!p0 $0x1  }
0x78: {  	_ =	swait.ge @!p0 [sflag:s0], s1  }
0x79: {  	s1 =	ssub.s32 @!p0 $0x0, s1;
	[sflag:s0] =	ssyncset.done @!p0 $0x0  }
0x7a: {  	[sflag:s0] =	ssyncadd.s32 @!p0 s1  }
0x7b: {  	[bflag:$0x3] =	sbarrier.arrive $0xFFFF  }
0x7c: {  	_ =	shalt  }

</sc_bundles>
